<compile_context>
chip_gen: v7x
topology: tpu7x:2x2x1
jax: 0.10.2.dev20260603
libtpu: 0.0.44.dev20260713+nightly
codegen_flags: <defaults>
</compile_context>

<pallas_src>
import jax
import jax.numpy as jnp
from jax import lax
from jax.experimental import pallas as pl
from jax.experimental.pallas import tpu as pltpu
from jax.experimental.pallas import tpu_sc as plsc

B = 4096
N = 8192
NC = 2
NS = 16
L = 16
NW = NC * NS
ROWS_PER_W = B // NW
RI = 4
RO = 2
CHUNKS = ROWS_PER_W // RI
NIN = 2


def _body(x_hbm, idx_hbm, out_hbm, idx_v, ins, outs, sins, souts):
    wid = lax.axis_index("s") * NC + lax.axis_index("c")
    row_base = wid * ROWS_PER_W

    pltpu.sync_copy(idx_hbm, idx_v)

    def in_copy(c, k):
        return pltpu.make_async_copy(
            x_hbm.at[pl.ds(row_base + c * RI, RI)], ins[k], sins[k])

    def out_copy(c, h):
        return pltpu.make_async_copy(
            outs[h],
            out_hbm.at[pl.ds(row_base + c * RI + h * RO, RO)],
            souts[h])

    def compute_half(inb, h):
        @plsc.parallel_loop(0, N // L, 1, unroll=8)
        def _(j):
            jj = j * L
            idx16 = idx_v[pl.ds(jj, L)]
            for r in range(RO):
                row16 = jnp.full((L,), h * RO + r, jnp.int32)
                outs[h][r, pl.ds(jj, L)] = plsc.load_gather(
                    inb, [row16, idx16])

    for k in range(NIN):
        in_copy(k, k).start()

    def group_body(p, carry):
        g0 = p * NIN
        for k in range(NIN):
            g = g0 + k
            in_copy(g, k).wait()
            for h in range(2):
                @pl.when(g > 0)
                def _():
                    out_copy(g - 1, h).wait()

                compute_half(ins[k], h)
                out_copy(g, h).start()

            @pl.when(g + NIN < CHUNKS)
            def _():
                in_copy(g + NIN, k).start()
        return carry

    lax.fori_loop(0, CHUNKS // NIN, group_body, 0)
    for h in range(2):
        out_copy(CHUNKS - 1, h).wait()


@jax.jit
def kernel(x, ind_rate_matching):
    mesh = plsc.VectorSubcoreMesh(core_axis_name="c", subcore_axis_name="s")
    return pl.kernel(
        _body,
        out_type=jax.ShapeDtypeStruct((B, N), jnp.float32),
        mesh=mesh,
        scratch_types=[
            pltpu.VMEM((N,), jnp.int32),
            [pltpu.VMEM((RI, N), jnp.float32) for _ in range(NIN)],
            [pltpu.VMEM((RO, N), jnp.float32) for _ in range(2)],
            [pltpu.SemaphoreType.DMA for _ in range(NIN)],
            [pltpu.SemaphoreType.DMA for _ in range(2)],
        ],
        compiler_params=pltpu.CompilerParams(
            needs_layout_passes=False,
            disable_bounds_checks=True,
            disable_semaphore_checks=True,
        ),
    )(x, ind_rate_matching)

# --- scband reference (transcript-rebuilt; emitter-appended) ---
"""Pipeline reference for scband-interleaving-method-16303695856329 (READ-ONLY COPY).

The authoritative reference and input builder live on the scoring server;
editing this copy changes nothing except your own understanding.
"""

import jax, jax.numpy as jnp
import numpy as np

N_POLAR = 8192

_PERM = np.array([0, 1, 2, 4, 3, 5, 6, 7, 8, 16, 9, 17, 10, 18, 11, 19, 12, 20,
                  13, 21, 14, 22, 15, 23, 24, 25, 26, 28, 27, 29, 30, 31])


def subblock_interleaving(u):
    k = u.shape[-1]
    assert np.mod(k, 32) == 0
    y = np.zeros_like(u)
    for n in range(k):
        i = int(np.floor(32 * n / k))
        j = _PERM[i] * k / 32 + np.mod(n, k / 32)
        y[n] = u[int(j)]
    return y


def channel_interleaver(c):
    n = c.shape[-1]
    c_int = np.zeros_like(c)
    t = 0
    while t * (t + 1) / 2 < n:
        t += 1
    v = np.zeros([t, t])
    ind_k = 0
    for ind_i in range(t):
        for ind_j in range(t - ind_i):
            if ind_k < n:
                v[ind_i, ind_j] = c[ind_k]
            else:
                v[ind_i, ind_j] = np.nan
            ind_k += 1
    ind_k = 0
    for ind_j in range(t):
        for ind_i in range(t - ind_j):
            if not np.isnan(v[ind_i, ind_j]):
                c_int[ind_k] = v[ind_i, ind_j]
                ind_k += 1
    return c_int


def _init_rate_matching(n_polar):
    # Faithful to the original __init__: `if self.channel_interleaver:` is a
    # bound method and therefore always truthy, so the channel-interleaver
    # branch is always taken.
    ind_sub_int = subblock_interleaving(np.arange(n_polar))
    c_int = np.arange(n_polar)
    idx_c_matched = np.zeros([n_polar])
    for ind in range(n_polar):
        idx_c_matched[ind] = c_int[np.mod(ind, n_polar)]
    ind_channel_int = channel_interleaver(np.arange(n_polar))
    ind_t = idx_c_matched[ind_channel_int].astype(int)
    idx_rate_matched = ind_sub_int[ind_t]
    return idx_rate_matched.astype(np.int32)


def setup_inputs(seed: int = 0) -> dict:
    key = jax.random.key(seed)
    x = jax.random.normal(key, (4096, N_POLAR), dtype=jnp.float32)
    ind_rate_matching = jnp.asarray(_init_rate_matching(N_POLAR), dtype=jnp.int32)
    return {"x": x, "ind_rate_matching": ind_rate_matching}


def reference(x, ind_rate_matching):
    # apply_interleaving: gather along codeword axis (axis=1)
    return jnp.take(x, ind_rate_matching, axis=1)

if __name__ == "__main__":
    import jax
    _d = setup_inputs()
    print(jax.jit(kernel)(*tuple(_d.values())))

</pallas_src>

<mosaic_0001>
#map = affine_map<(d0, d1) -> (0, 0)>
#map1 = affine_map<(d0, d1) -> (0)>
module attributes {stable_mosaic.version = 14 : i64} {
  func.func @_body(%arg0: i32, %arg1: i32, %arg2: memref<4096x8192xf32, #tpu.memory_space<hbm>>, %arg3: memref<8192xi32, #tpu.memory_space<hbm>>, %arg4: memref<4096x8192xf32, #tpu.memory_space<hbm>>, %arg5: memref<8192xi32, #tpu.memory_space<vmem>>, %arg6: memref<4x8192xf32, #tpu.memory_space<vmem>>, %arg7: memref<4x8192xf32, #tpu.memory_space<vmem>>, %arg8: memref<2x8192xf32, #tpu.memory_space<vmem>>, %arg9: memref<2x8192xf32, #tpu.memory_space<vmem>>, %arg10: memref<!tpu.dma_semaphore, #tpu.memory_space<semaphore_mem>>, %arg11: memref<!tpu.dma_semaphore, #tpu.memory_space<semaphore_mem>>, %arg12: memref<!tpu.dma_semaphore, #tpu.memory_space<semaphore_mem>>, %arg13: memref<!tpu.dma_semaphore, #tpu.memory_space<semaphore_mem>>) attributes {dimension_semantics = [#tpu.dimension_semantics<core_parallel>, #tpu.dimension_semantics<subcore_parallel>], iteration_bounds = array<i64: 2, 16>, scalar_prefetch = 0 : i64, scratch_operands = 9 : i64, tpu.core_type = #tpu.core_type<sc_vector_subcore>, window_params = [{transform_indices = #map}, {transform_indices = #map1}, {transform_indices = #map}]} {
    %mul3A = arith.constant 2 : i32
    %mul3A_0 = arith.muli %arg1, %mul3A : i32
    %add3A = arith.addi %mul3A_0, %arg0 : i32
    %mul3A_1 = arith.constant 128 : i32
    %mul3A_2 = arith.muli %add3A, %mul3A_1 : i32
    "tpu.region"() ({
      %run_scoped3A = tpu.sem_alloc : memref<!tpu.dma_semaphore, #tpu.memory_space<semaphore_mem>>
      tpu.enqueue_dma source(%arg3 : memref<8192xi32, #tpu.memory_space<hbm>>) target(%arg5 : memref<8192xi32, #tpu.memory_space<vmem>>) target_semaphore(%run_scoped3A : memref<!tpu.dma_semaphore, #tpu.memory_space<semaphore_mem>>)
      tpu.wait_dma2 semaphore(%run_scoped3A : memref<!tpu.dma_semaphore, #tpu.memory_space<semaphore_mem>>) src(%arg3 : memref<8192xi32, #tpu.memory_space<hbm>>) dst(%arg5 : memref<8192xi32, #tpu.memory_space<vmem>>)
      tpu.yield
    }) : () -> ()
    %add3A_3 = arith.constant 0 : i32
    %add3A_4 = arith.addi %mul3A_2, %add3A_3 : i32
    %dma_start3A = arith.constant 0 : i32
    %dma_start3A_5 = tpu.memref_slice %arg2[%add3A_4, %dma_start3A] : memref<4096x8192xf32, #tpu.memory_space<hbm>> -> memref<4x8192xf32, #tpu.memory_space<hbm>>
    %dma_start3A_6 = arith.constant 0 : i32
    %dma_start3A_7 = tpu.memref_slice %arg2[%add3A_4, %dma_start3A_6] : memref<4096x8192xf32, #tpu.memory_space<hbm>> -> memref<4x8192xf32, #tpu.memory_space<hbm>>
    tpu.enqueue_dma source(%dma_start3A_7 : memref<4x8192xf32, #tpu.memory_space<hbm>>) target(%arg6 : memref<4x8192xf32, #tpu.memory_space<vmem>>) target_semaphore(%arg10 : memref<!tpu.dma_semaphore, #tpu.memory_space<semaphore_mem>>)
    %add3A_8 = arith.constant 4 : i32
    %add3A_9 = arith.addi %mul3A_2, %add3A_8 : i32
    %dma_start3A_10 = arith.constant 0 : i32
    %dma_start3A_11 = tpu.memref_slice %arg2[%add3A_9, %dma_start3A_10] : memref<4096x8192xf32, #tpu.memory_space<hbm>> -> memref<4x8192xf32, #tpu.memory_space<hbm>>
    %dma_start3A_12 = arith.constant 0 : i32
    %dma_start3A_13 = tpu.memref_slice %arg2[%add3A_9, %dma_start3A_12] : memref<4096x8192xf32, #tpu.memory_space<hbm>> -> memref<4x8192xf32, #tpu.memory_space<hbm>>
    tpu.enqueue_dma source(%dma_start3A_13 : memref<4x8192xf32, #tpu.memory_space<hbm>>) target(%arg7 : memref<4x8192xf32, #tpu.memory_space<vmem>>) target_semaphore(%arg11 : memref<!tpu.dma_semaphore, #tpu.memory_space<semaphore_mem>>)
    %scan3A = arith.constant 0 : i32
    %scan3A_14 = arith.constant 0 : i32
    %scan3A_15 = arith.constant 16 : i32
    %scan3A_16 = arith.addi %scan3A_14, %scan3A_15 : i32
    %scan3A_17 = arith.constant 1 : i32
    scf.for %scan3A_34 = %scan3A_14 to %scan3A_16 step %scan3A_17  : i32 {
      %mul3A_35 = arith.constant 2 : i32
      %mul3A_36 = arith.muli %scan3A_34, %mul3A_35 : i32
      %add3A_37 = arith.constant 0 : i32
      %add3A_38 = arith.addi %mul3A_36, %add3A_37 : i32
      %mul3A_39 = arith.constant 4 : i32
      %mul3A_40 = arith.muli %add3A_38, %mul3A_39 : i32
      %add3A_41 = arith.addi %mul3A_2, %mul3A_40 : i32
      %dma_wait3A_42 = arith.constant 0 : i32
      %dma_wait3A_43 = tpu.memref_slice %arg2[%add3A_41, %dma_wait3A_42] : memref<4096x8192xf32, #tpu.memory_space<hbm>> -> memref<4x8192xf32, #tpu.memory_space<hbm>>
      %dma_wait3A_44 = arith.constant 0 : i32
      %dma_wait3A_45 = tpu.memref_slice %arg2[%add3A_41, %dma_wait3A_44] : memref<4096x8192xf32, #tpu.memory_space<hbm>> -> memref<4x8192xf32, #tpu.memory_space<hbm>>
      tpu.wait_dma2 semaphore(%arg10 : memref<!tpu.dma_semaphore, #tpu.memory_space<semaphore_mem>>) src(%dma_wait3A_45 : memref<4x8192xf32, #tpu.memory_space<hbm>>) dst(%arg6 : memref<4x8192xf32, #tpu.memory_space<vmem>>)
      %gt3A = arith.constant 0 : i32
      %gt3A_46 = arith.cmpi sgt, %add3A_38, %gt3A : i32
      %convert_element_type3A = arith.extui %gt3A_46 : i1 to i32
      %cond3A = arith.constant 0 : i32
      %cond3A_47 = arith.cmpi ne, %convert_element_type3A, %cond3A : i32
      scf.if %cond3A_47 {
        %sub3A = arith.constant 1 : i32
        %sub3A_132 = arith.subi %add3A_38, %sub3A : i32
        %mul3A_133 = arith.constant 4 : i32
        %mul3A_134 = arith.muli %sub3A_132, %mul3A_133 : i32
        %add3A_135 = arith.addi %mul3A_2, %mul3A_134 : i32
        %add3A_136 = arith.constant 0 : i32
        %add3A_137 = arith.addi %add3A_135, %add3A_136 : i32
        %dma_wait3A_138 = arith.constant 0 : i32
        %dma_wait3A_139 = tpu.memref_slice %arg4[%add3A_137, %dma_wait3A_138] : memref<4096x8192xf32, #tpu.memory_space<hbm>> -> memref<2x8192xf32, #tpu.memory_space<hbm>>
        %dma_wait3A_140 = arith.constant 0 : i32
        %dma_wait3A_141 = tpu.memref_slice %arg4[%add3A_137, %dma_wait3A_140] : memref<4096x8192xf32, #tpu.memory_space<hbm>> -> memref<2x8192xf32, #tpu.memory_space<hbm>>
        tpu.wait_dma2 semaphore(%arg12 : memref<!tpu.dma_semaphore, #tpu.memory_space<semaphore_mem>>) src(%arg8 : memref<2x8192xf32, #tpu.memory_space<vmem>>) dst(%dma_wait3A_141 : memref<2x8192xf32, #tpu.memory_space<hbm>>)
      } else {
      }
      %parallel_loop3A = arith.constant 0 : i32
      %parallel_loop3A_48 = arith.constant 512 : i32
      %parallel_loop3A_49 = arith.constant 1 : i32
      scf.for %parallel_loop3A_132 = %parallel_loop3A to %parallel_loop3A_48 step %parallel_loop3A_49  : i32 {
        %parallel_loop3A_133 = arith.constant 16 : i32
        %parallel_loop3A_134 = arith.muli %parallel_loop3A_132, %parallel_loop3A_133 : i32
        %parallel_loop3A_135 = arith.index_cast %parallel_loop3A_134 : i32 to index
        %parallel_loop3A_136 = tpu.vector_load %arg5[%parallel_loop3A_135] {strides = array<i32>} : memref<8192xi32, #tpu.memory_space<vmem>>, vector<16xi32>,
        %parallel_loop3A_137 = arith.constant 0 : i32
        %parallel_loop3A_138 = vector.broadcast %parallel_loop3A_137 : i32 to vector<16xi32>
        %parallel_loop3A_139 = tpu.vector_load_idx %arg6[%parallel_loop3A_138, %parallel_loop3A_136] : memref<4x8192xf32, #tpu.memory_space<vmem>>[vector<16xi32>, vector<16xi32>], vector<16xf32>,
        %parallel_loop3A_140 = arith.constant 0 : i32
        %parallel_loop3A_141 = arith.index_cast %parallel_loop3A_140 : i32 to index
        %parallel_loop3A_142 = arith.index_cast %parallel_loop3A_134 : i32 to index
        %parallel_loop3A_143 = tpu.vector_load %arg8[%parallel_loop3A_141, %parallel_loop3A_142] {strides = array<i32>} : memref<2x8192xf32, #tpu.memory_space<vmem>>, vector<16xf32>,
        tpu.vector_store %arg8[%parallel_loop3A_141, %parallel_loop3A_142], %parallel_loop3A_139 {strides = array<i32>} : memref<2x8192xf32, #tpu.memory_space<vmem>>, vector<16xf32>,
        %parallel_loop3A_144 = arith.constant 1 : i32
        %parallel_loop3A_145 = vector.broadcast %parallel_loop3A_144 : i32 to vector<16xi32>
        %parallel_loop3A_146 = tpu.vector_load_idx %arg6[%parallel_loop3A_145, %parallel_loop3A_136] : memref<4x8192xf32, #tpu.memory_space<vmem>>[vector<16xi32>, vector<16xi32>], vector<16xf32>,
        %parallel_loop3A_147 = arith.constant 1 : i32
        %parallel_loop3A_148 = arith.index_cast %parallel_loop3A_147 : i32 to index
        %parallel_loop3A_149 = arith.index_cast %parallel_loop3A_134 : i32 to index
        %parallel_loop3A_150 = tpu.vector_load %arg8[%parallel_loop3A_148, %parallel_loop3A_149] {strides = array<i32>} : memref<2x8192xf32, #tpu.memory_space<vmem>>, vector<16xf32>,
        tpu.vector_store %arg8[%parallel_loop3A_148, %parallel_loop3A_149], %parallel_loop3A_146 {strides = array<i32>} : memref<2x8192xf32, #tpu.memory_space<vmem>>, vector<16xf32>,
      } {sc.loop_unroll_factor = 8 : i64, sc.parallel_access}
      %mul3A_50 = arith.constant 4 : i32
      %mul3A_51 = arith.muli %add3A_38, %mul3A_50 : i32
      %add3A_52 = arith.addi %mul3A_2, %mul3A_51 : i32
      %add3A_53 = arith.constant 0 : i32
      %add3A_54 = arith.addi %add3A_52, %add3A_53 : i32
      %dma_start3A_55 = arith.constant 0 : i32
      %dma_start3A_56 = tpu.memref_slice %arg4[%add3A_54, %dma_start3A_55] : memref<4096x8192xf32, #tpu.memory_space<hbm>> -> memref<2x8192xf32, #tpu.memory_space<hbm>>
      %dma_start3A_57 = arith.constant 0 : i32
      %dma_start3A_58 = tpu.memref_slice %arg4[%add3A_54, %dma_start3A_57] : memref<4096x8192xf32, #tpu.memory_space<hbm>> -> memref<2x8192xf32, #tpu.memory_space<hbm>>
      tpu.enqueue_dma source(%arg8 : memref<2x8192xf32, #tpu.memory_space<vmem>>) target(%dma_start3A_58 : memref<2x8192xf32, #tpu.memory_space<hbm>>) target_semaphore(%arg12 : memref<!tpu.dma_semaphore, #tpu.memory_space<semaphore_mem>>)
      %gt3A_59 = arith.constant 0 : i32
      %gt3A_60 = arith.cmpi sgt, %add3A_38, %gt3A_59 : i32
      %convert_element_type3A_61 = arith.extui %gt3A_60 : i1 to i32
      %cond3A_62 = arith.constant 0 : i32
      %cond3A_63 = arith.cmpi ne, %convert_element_type3A_61, %cond3A_62 : i32
      scf.if %cond3A_63 {
        %sub3A = arith.constant 1 : i32
        %sub3A_132 = arith.subi %add3A_38, %sub3A : i32
        %mul3A_133 = arith.constant 4 : i32
        %mul3A_134 = arith.muli %sub3A_132, %mul3A_133 : i32
        %add3A_135 = arith.addi %mul3A_2, %mul3A_134 : i32
        %add3A_136 = arith.constant 2 : i32
        %add3A_137 = arith.addi %add3A_135, %add3A_136 : i32
        %dma_wait3A_138 = arith.constant 0 : i32
        %dma_wait3A_139 = tpu.memref_slice %arg4[%add3A_137, %dma_wait3A_138] : memref<4096x8192xf32, #tpu.memory_space<hbm>> -> memref<2x8192xf32, #tpu.memory_space<hbm>>
        %dma_wait3A_140 = arith.constant 0 : i32
        %dma_wait3A_141 = tpu.memref_slice %arg4[%add3A_137, %dma_wait3A_140] : memref<4096x8192xf32, #tpu.memory_space<hbm>> -> memref<2x8192xf32, #tpu.memory_space<hbm>>
        tpu.wait_dma2 semaphore(%arg13 : memref<!tpu.dma_semaphore, #tpu.memory_space<semaphore_mem>>) src(%arg9 : memref<2x8192xf32, #tpu.memory_space<vmem>>) dst(%dma_wait3A_141 : memref<2x8192xf32, #tpu.memory_space<hbm>>)
      } else {
      }
      %parallel_loop3A_64 = arith.constant 0 : i32
      %parallel_loop3A_65 = arith.constant 512 : i32
      %parallel_loop3A_66 = arith.constant 1 : i32
      scf.for %parallel_loop3A_132 = %parallel_loop3A_64 to %parallel_loop3A_65 step %parallel_loop3A_66  : i32 {
        %parallel_loop3A_133 = arith.constant 16 : i32
        %parallel_loop3A_134 = arith.muli %parallel_loop3A_132, %parallel_loop3A_133 : i32
        %parallel_loop3A_135 = arith.index_cast %parallel_loop3A_134 : i32 to index
        %parallel_loop3A_136 = tpu.vector_load %arg5[%parallel_loop3A_135] {strides = array<i32>} : memref<8192xi32, #tpu.memory_space<vmem>>, vector<16xi32>,
        %parallel_loop3A_137 = arith.constant 2 : i32
        %parallel_loop3A_138 = vector.broadcast %parallel_loop3A_137 : i32 to vector<16xi32>
        %parallel_loop3A_139 = tpu.vector_load_idx %arg6[%parallel_loop3A_138, %parallel_loop3A_136] : memref<4x8192xf32, #tpu.memory_space<vmem>>[vector<16xi32>, vector<16xi32>], vector<16xf32>,
        %parallel_loop3A_140 = arith.constant 0 : i32
        %parallel_loop3A_141 = arith.index_cast %parallel_loop3A_140 : i32 to index
        %parallel_loop3A_142 = arith.index_cast %parallel_loop3A_134 : i32 to index
        %parallel_loop3A_143 = tpu.vector_load %arg9[%parallel_loop3A_141, %parallel_loop3A_142] {strides = array<i32>} : memref<2x8192xf32, #tpu.memory_space<vmem>>, vector<16xf32>,
        tpu.vector_store %arg9[%parallel_loop3A_141, %parallel_loop3A_142], %parallel_loop3A_139 {strides = array<i32>} : memref<2x8192xf32, #tpu.memory_space<vmem>>, vector<16xf32>,
        %parallel_loop3A_144 = arith.constant 3 : i32
        %parallel_loop3A_145 = vector.broadcast %parallel_loop3A_144 : i32 to vector<16xi32>
        %parallel_loop3A_146 = tpu.vector_load_idx %arg6[%parallel_loop3A_145, %parallel_loop3A_136] : memref<4x8192xf32, #tpu.memory_space<vmem>>[vector<16xi32>, vector<16xi32>], vector<16xf32>,
        %parallel_loop3A_147 = arith.constant 1 : i32
        %parallel_loop3A_148 = arith.index_cast %parallel_loop3A_147 : i32 to index
        %parallel_loop3A_149 = arith.index_cast %parallel_loop3A_134 : i32 to index
        %parallel_loop3A_150 = tpu.vector_load %arg9[%parallel_loop3A_148, %parallel_loop3A_149] {strides = array<i32>} : memref<2x8192xf32, #tpu.memory_space<vmem>>, vector<16xf32>,
        tpu.vector_store %arg9[%parallel_loop3A_148, %parallel_loop3A_149], %parallel_loop3A_146 {strides = array<i32>} : memref<2x8192xf32, #tpu.memory_space<vmem>>, vector<16xf32>,
      } {sc.loop_unroll_factor = 8 : i64, sc.parallel_access}
      %mul3A_67 = arith.constant 4 : i32
      %mul3A_68 = arith.muli %add3A_38, %mul3A_67 : i32
      %add3A_69 = arith.addi %mul3A_2, %mul3A_68 : i32
      %add3A_70 = arith.constant 2 : i32
      %add3A_71 = arith.addi %add3A_69, %add3A_70 : i32
      %dma_start3A_72 = arith.constant 0 : i32
      %dma_start3A_73 = tpu.memref_slice %arg4[%add3A_71, %dma_start3A_72] : memref<4096x8192xf32, #tpu.memory_space<hbm>> -> memref<2x8192xf32, #tpu.memory_space<hbm>>
      %dma_start3A_74 = arith.constant 0 : i32
      %dma_start3A_75 = tpu.memref_slice %arg4[%add3A_71, %dma_start3A_74] : memref<4096x8192xf32, #tpu.memory_space<hbm>> -> memref<2x8192xf32, #tpu.memory_space<hbm>>
      tpu.enqueue_dma source(%arg9 : memref<2x8192xf32, #tpu.memory_space<vmem>>) target(%dma_start3A_75 : memref<2x8192xf32, #tpu.memory_space<hbm>>) target_semaphore(%arg13 : memref<!tpu.dma_semaphore, #tpu.memory_space<semaphore_mem>>)
      %add3A_76 = arith.constant 2 : i32
      %add3A_77 = arith.addi %add3A_38, %add3A_76 : i32
      %lt3A = arith.constant 32 : i32
      %lt3A_78 = arith.cmpi slt, %add3A_77, %lt3A : i32
      %convert_element_type3A_79 = arith.extui %lt3A_78 : i1 to i32
      %cond3A_80 = arith.constant 0 : i32
      %cond3A_81 = arith.cmpi ne, %convert_element_type3A_79, %cond3A_80 : i32
      scf.if %cond3A_81 {
        %add3A_132 = arith.constant 2 : i32
        %add3A_133 = arith.addi %add3A_38, %add3A_132 : i32
        %mul3A_134 = arith.constant 4 : i32
        %mul3A_135 = arith.muli %add3A_133, %mul3A_134 : i32
        %add3A_136 = arith.addi %mul3A_2, %mul3A_135 : i32
        %dma_start3A_137 = arith.constant 0 : i32
        %dma_start3A_138 = tpu.memref_slice %arg2[%add3A_136, %dma_start3A_137] : memref<4096x8192xf32, #tpu.memory_space<hbm>> -> memref<4x8192xf32, #tpu.memory_space<hbm>>
        %dma_start3A_139 = arith.constant 0 : i32
        %dma_start3A_140 = tpu.memref_slice %arg2[%add3A_136, %dma_start3A_139] : memref<4096x8192xf32, #tpu.memory_space<hbm>> -> memref<4x8192xf32, #tpu.memory_space<hbm>>
        tpu.enqueue_dma source(%dma_start3A_140 : memref<4x8192xf32, #tpu.memory_space<hbm>>) target(%arg6 : memref<4x8192xf32, #tpu.memory_space<vmem>>) target_semaphore(%arg10 : memref<!tpu.dma_semaphore, #tpu.memory_space<semaphore_mem>>)
      } else {
      }
      %add3A_82 = arith.constant 1 : i32
      %add3A_83 = arith.addi %mul3A_36, %add3A_82 : i32
      %mul3A_84 = arith.constant 4 : i32
      %mul3A_85 = arith.muli %add3A_83, %mul3A_84 : i32
      %add3A_86 = arith.addi %mul3A_2, %mul3A_85 : i32
      %dma_wait3A_87 = arith.constant 0 : i32
      %dma_wait3A_88 = tpu.memref_slice %arg2[%add3A_86, %dma_wait3A_87] : memref<4096x8192xf32, #tpu.memory_space<hbm>> -> memref<4x8192xf32, #tpu.memory_space<hbm>>
      %dma_wait3A_89 = arith.constant 0 : i32
      %dma_wait3A_90 = tpu.memref_slice %arg2[%add3A_86, %dma_wait3A_89] : memref<4096x8192xf32, #tpu.memory_space<hbm>> -> memref<4x8192xf32, #tpu.memory_space<hbm>>
      tpu.wait_dma2 semaphore(%arg11 : memref<!tpu.dma_semaphore, #tpu.memory_space<semaphore_mem>>) src(%dma_wait3A_90 : memref<4x8192xf32, #tpu.memory_space<hbm>>) dst(%arg7 : memref<4x8192xf32, #tpu.memory_space<vmem>>)
      %gt3A_91 = arith.constant 0 : i32
      %gt3A_92 = arith.cmpi sgt, %add3A_83, %gt3A_91 : i32
      %convert_element_type3A_93 = arith.extui %gt3A_92 : i1 to i32
      %cond3A_94 = arith.constant 0 : i32
      %cond3A_95 = arith.cmpi ne, %convert_element_type3A_93, %cond3A_94 : i32
      scf.if %cond3A_95 {
        %sub3A = arith.constant 1 : i32
        %sub3A_132 = arith.subi %add3A_83, %sub3A : i32
        %mul3A_133 = arith.constant 4 : i32
        %mul3A_134 = arith.muli %sub3A_132, %mul3A_133 : i32
        %add3A_135 = arith.addi %mul3A_2, %mul3A_134 : i32
        %add3A_136 = arith.constant 0 : i32
        %add3A_137 = arith.addi %add3A_135, %add3A_136 : i32
        %dma_wait3A_138 = arith.constant 0 : i32
        %dma_wait3A_139 = tpu.memref_slice %arg4[%add3A_137, %dma_wait3A_138] : memref<4096x8192xf32, #tpu.memory_space<hbm>> -> memref<2x8192xf32, #tpu.memory_space<hbm>>
        %dma_wait3A_140 = arith.constant 0 : i32
        %dma_wait3A_141 = tpu.memref_slice %arg4[%add3A_137, %dma_wait3A_140] : memref<4096x8192xf32, #tpu.memory_space<hbm>> -> memref<2x8192xf32, #tpu.memory_space<hbm>>
        tpu.wait_dma2 semaphore(%arg12 : memref<!tpu.dma_semaphore, #tpu.memory_space<semaphore_mem>>) src(%arg8 : memref<2x8192xf32, #tpu.memory_space<vmem>>) dst(%dma_wait3A_141 : memref<2x8192xf32, #tpu.memory_space<hbm>>)
      } else {
      }
      %parallel_loop3A_96 = arith.constant 0 : i32
      %parallel_loop3A_97 = arith.constant 512 : i32
      %parallel_loop3A_98 = arith.constant 1 : i32
      scf.for %parallel_loop3A_132 = %parallel_loop3A_96 to %parallel_loop3A_97 step %parallel_loop3A_98  : i32 {
        %parallel_loop3A_133 = arith.constant 16 : i32
        %parallel_loop3A_134 = arith.muli %parallel_loop3A_132, %parallel_loop3A_133 : i32
        %parallel_loop3A_135 = arith.index_cast %parallel_loop3A_134 : i32 to index
        %parallel_loop3A_136 = tpu.vector_load %arg5[%parallel_loop3A_135] {strides = array<i32>} : memref<8192xi32, #tpu.memory_space<vmem>>, vector<16xi32>,
        %parallel_loop3A_137 = arith.constant 0 : i32
        %parallel_loop3A_138 = vector.broadcast %parallel_loop3A_137 : i32 to vector<16xi32>
        %parallel_loop3A_139 = tpu.vector_load_idx %arg7[%parallel_loop3A_138, %parallel_loop3A_136] : memref<4x8192xf32, #tpu.memory_space<vmem>>[vector<16xi32>, vector<16xi32>], vector<16xf32>,
        %parallel_loop3A_140 = arith.constant 0 : i32
        %parallel_loop3A_141 = arith.index_cast %parallel_loop3A_140 : i32 to index
        %parallel_loop3A_142 = arith.index_cast %parallel_loop3A_134 : i32 to index
        %parallel_loop3A_143 = tpu.vector_load %arg8[%parallel_loop3A_141, %parallel_loop3A_142] {strides = array<i32>} : memref<2x8192xf32, #tpu.memory_space<vmem>>, vector<16xf32>,
        tpu.vector_store %arg8[%parallel_loop3A_141, %parallel_loop3A_142], %parallel_loop3A_139 {strides = array<i32>} : memref<2x8192xf32, #tpu.memory_space<vmem>>, vector<16xf32>,
        %parallel_loop3A_144 = arith.constant 1 : i32
        %parallel_loop3A_145 = vector.broadcast %parallel_loop3A_144 : i32 to vector<16xi32>
        %parallel_loop3A_146 = tpu.vector_load_idx %arg7[%parallel_loop3A_145, %parallel_loop3A_136] : memref<4x8192xf32, #tpu.memory_space<vmem>>[vector<16xi32>, vector<16xi32>], vector<16xf32>,
        %parallel_loop3A_147 = arith.constant 1 : i32
        %parallel_loop3A_148 = arith.index_cast %parallel_loop3A_147 : i32 to index
        %parallel_loop3A_149 = arith.index_cast %parallel_loop3A_134 : i32 to index
        %parallel_loop3A_150 = tpu.vector_load %arg8[%parallel_loop3A_148, %parallel_loop3A_149] {strides = array<i32>} : memref<2x8192xf32, #tpu.memory_space<vmem>>, vector<16xf32>,
        tpu.vector_store %arg8[%parallel_loop3A_148, %parallel_loop3A_149], %parallel_loop3A_146 {strides = array<i32>} : memref<2x8192xf32, #tpu.memory_space<vmem>>, vector<16xf32>,
      } {sc.loop_unroll_factor = 8 : i64, sc.parallel_access}
      %mul3A_99 = arith.constant 4 : i32
      %mul3A_100 = arith.muli %add3A_83, %mul3A_99 : i32
      %add3A_101 = arith.addi %mul3A_2, %mul3A_100 : i32
      %add3A_102 = arith.constant 0 : i32
      %add3A_103 = arith.addi %add3A_101, %add3A_102 : i32
      %dma_start3A_104 = arith.constant 0 : i32
      %dma_start3A_105 = tpu.memref_slice %arg4[%add3A_103, %dma_start3A_104] : memref<4096x8192xf32, #tpu.memory_space<hbm>> -> memref<2x8192xf32, #tpu.memory_space<hbm>>
      %dma_start3A_106 = arith.constant 0 : i32
      %dma_start3A_107 = tpu.memref_slice %arg4[%add3A_103, %dma_start3A_106] : memref<4096x8192xf32, #tpu.memory_space<hbm>> -> memref<2x8192xf32, #tpu.memory_space<hbm>>
      tpu.enqueue_dma source(%arg8 : memref<2x8192xf32, #tpu.memory_space<vmem>>) target(%dma_start3A_107 : memref<2x8192xf32, #tpu.memory_space<hbm>>) target_semaphore(%arg12 : memref<!tpu.dma_semaphore, #tpu.memory_space<semaphore_mem>>)
      %gt3A_108 = arith.constant 0 : i32
      %gt3A_109 = arith.cmpi sgt, %add3A_83, %gt3A_108 : i32
      %convert_element_type3A_110 = arith.extui %gt3A_109 : i1 to i32
      %cond3A_111 = arith.constant 0 : i32
      %cond3A_112 = arith.cmpi ne, %convert_element_type3A_110, %cond3A_111 : i32
      scf.if %cond3A_112 {
        %sub3A = arith.constant 1 : i32
        %sub3A_132 = arith.subi %add3A_83, %sub3A : i32
        %mul3A_133 = arith.constant 4 : i32
        %mul3A_134 = arith.muli %sub3A_132, %mul3A_133 : i32
        %add3A_135 = arith.addi %mul3A_2, %mul3A_134 : i32
        %add3A_136 = arith.constant 2 : i32
        %add3A_137 = arith.addi %add3A_135, %add3A_136 : i32
        %dma_wait3A_138 = arith.constant 0 : i32
        %dma_wait3A_139 = tpu.memref_slice %arg4[%add3A_137, %dma_wait3A_138] : memref<4096x8192xf32, #tpu.memory_space<hbm>> -> memref<2x8192xf32, #tpu.memory_space<hbm>>
        %dma_wait3A_140 = arith.constant 0 : i32
        %dma_wait3A_141 = tpu.memref_slice %arg4[%add3A_137, %dma_wait3A_140] : memref<4096x8192xf32, #tpu.memory_space<hbm>> -> memref<2x8192xf32, #tpu.memory_space<hbm>>
        tpu.wait_dma2 semaphore(%arg13 : memref<!tpu.dma_semaphore, #tpu.memory_space<semaphore_mem>>) src(%arg9 : memref<2x8192xf32, #tpu.memory_space<vmem>>) dst(%dma_wait3A_141 : memref<2x8192xf32, #tpu.memory_space<hbm>>)
      } else {
      }
      %parallel_loop3A_113 = arith.constant 0 : i32
      %parallel_loop3A_114 = arith.constant 512 : i32
      %parallel_loop3A_115 = arith.constant 1 : i32
      scf.for %parallel_loop3A_132 = %parallel_loop3A_113 to %parallel_loop3A_114 step %parallel_loop3A_115  : i32 {
        %parallel_loop3A_133 = arith.constant 16 : i32
        %parallel_loop3A_134 = arith.muli %parallel_loop3A_132, %parallel_loop3A_133 : i32
        %parallel_loop3A_135 = arith.index_cast %parallel_loop3A_134 : i32 to index
        %parallel_loop3A_136 = tpu.vector_load %arg5[%parallel_loop3A_135] {strides = array<i32>} : memref<8192xi32, #tpu.memory_space<vmem>>, vector<16xi32>,
        %parallel_loop3A_137 = arith.constant 2 : i32
        %parallel_loop3A_138 = vector.broadcast %parallel_loop3A_137 : i32 to vector<16xi32>
        %parallel_loop3A_139 = tpu.vector_load_idx %arg7[%parallel_loop3A_138, %parallel_loop3A_136] : memref<4x8192xf32, #tpu.memory_space<vmem>>[vector<16xi32>, vector<16xi32>], vector<16xf32>,
        %parallel_loop3A_140 = arith.constant 0 : i32
        %parallel_loop3A_141 = arith.index_cast %parallel_loop3A_140 : i32 to index
        %parallel_loop3A_142 = arith.index_cast %parallel_loop3A_134 : i32 to index
        %parallel_loop3A_143 = tpu.vector_load %arg9[%parallel_loop3A_141, %parallel_loop3A_142] {strides = array<i32>} : memref<2x8192xf32, #tpu.memory_space<vmem>>, vector<16xf32>,
        tpu.vector_store %arg9[%parallel_loop3A_141, %parallel_loop3A_142], %parallel_loop3A_139 {strides = array<i32>} : memref<2x8192xf32, #tpu.memory_space<vmem>>, vector<16xf32>,
        %parallel_loop3A_144 = arith.constant 3 : i32
        %parallel_loop3A_145 = vector.broadcast %parallel_loop3A_144 : i32 to vector<16xi32>
        %parallel_loop3A_146 = tpu.vector_load_idx %arg7[%parallel_loop3A_145, %parallel_loop3A_136] : memref<4x8192xf32, #tpu.memory_space<vmem>>[vector<16xi32>, vector<16xi32>], vector<16xf32>,
        %parallel_loop3A_147 = arith.constant 1 : i32
        %parallel_loop3A_148 = arith.index_cast %parallel_loop3A_147 : i32 to index
        %parallel_loop3A_149 = arith.index_cast %parallel_loop3A_134 : i32 to index
        %parallel_loop3A_150 = tpu.vector_load %arg9[%parallel_loop3A_148, %parallel_loop3A_149] {strides = array<i32>} : memref<2x8192xf32, #tpu.memory_space<vmem>>, vector<16xf32>,
        tpu.vector_store %arg9[%parallel_loop3A_148, %parallel_loop3A_149], %parallel_loop3A_146 {strides = array<i32>} : memref<2x8192xf32, #tpu.memory_space<vmem>>, vector<16xf32>,
      } {sc.loop_unroll_factor = 8 : i64, sc.parallel_access}
      %mul3A_116 = arith.constant 4 : i32
      %mul3A_117 = arith.muli %add3A_83, %mul3A_116 : i32
      %add3A_118 = arith.addi %mul3A_2, %mul3A_117 : i32
      %add3A_119 = arith.constant 2 : i32
      %add3A_120 = arith.addi %add3A_118, %add3A_119 : i32
      %dma_start3A_121 = arith.constant 0 : i32
      %dma_start3A_122 = tpu.memref_slice %arg4[%add3A_120, %dma_start3A_121] : memref<4096x8192xf32, #tpu.memory_space<hbm>> -> memref<2x8192xf32, #tpu.memory_space<hbm>>
      %dma_start3A_123 = arith.constant 0 : i32
      %dma_start3A_124 = tpu.memref_slice %arg4[%add3A_120, %dma_start3A_123] : memref<4096x8192xf32, #tpu.memory_space<hbm>> -> memref<2x8192xf32, #tpu.memory_space<hbm>>
      tpu.enqueue_dma source(%arg9 : memref<2x8192xf32, #tpu.memory_space<vmem>>) target(%dma_start3A_124 : memref<2x8192xf32, #tpu.memory_space<hbm>>) target_semaphore(%arg13 : memref<!tpu.dma_semaphore, #tpu.memory_space<semaphore_mem>>)
      %add3A_125 = arith.constant 2 : i32
      %add3A_126 = arith.addi %add3A_83, %add3A_125 : i32
      %lt3A_127 = arith.constant 32 : i32
      %lt3A_128 = arith.cmpi slt, %add3A_126, %lt3A_127 : i32
      %convert_element_type3A_129 = arith.extui %lt3A_128 : i1 to i32
      %cond3A_130 = arith.constant 0 : i32
      %cond3A_131 = arith.cmpi ne, %convert_element_type3A_129, %cond3A_130 : i32
      scf.if %cond3A_131 {
        %add3A_132 = arith.constant 2 : i32
        %add3A_133 = arith.addi %add3A_83, %add3A_132 : i32
        %mul3A_134 = arith.constant 4 : i32
        %mul3A_135 = arith.muli %add3A_133, %mul3A_134 : i32
        %add3A_136 = arith.addi %mul3A_2, %mul3A_135 : i32
        %dma_start3A_137 = arith.constant 0 : i32
        %dma_start3A_138 = tpu.memref_slice %arg2[%add3A_136, %dma_start3A_137] : memref<4096x8192xf32, #tpu.memory_space<hbm>> -> memref<4x8192xf32, #tpu.memory_space<hbm>>
        %dma_start3A_139 = arith.constant 0 : i32
        %dma_start3A_140 = tpu.memref_slice %arg2[%add3A_136, %dma_start3A_139] : memref<4096x8192xf32, #tpu.memory_space<hbm>> -> memref<4x8192xf32, #tpu.memory_space<hbm>>
        tpu.enqueue_dma source(%dma_start3A_140 : memref<4x8192xf32, #tpu.memory_space<hbm>>) target(%arg7 : memref<4x8192xf32, #tpu.memory_space<vmem>>) target_semaphore(%arg11 : memref<!tpu.dma_semaphore, #tpu.memory_space<semaphore_mem>>)
      } else {
      }
    }
    %scan3A_18 = arith.constant 16 : i32
    %add3A_19 = arith.constant 124 : i32
    %add3A_20 = arith.addi %mul3A_2, %add3A_19 : i32
    %add3A_21 = arith.constant 0 : i32
    %add3A_22 = arith.addi %add3A_20, %add3A_21 : i32
    %dma_wait3A = arith.constant 0 : i32
    %dma_wait3A_23 = tpu.memref_slice %arg4[%add3A_22, %dma_wait3A] : memref<4096x8192xf32, #tpu.memory_space<hbm>> -> memref<2x8192xf32, #tpu.memory_space<hbm>>
    %dma_wait3A_24 = arith.constant 0 : i32
    %dma_wait3A_25 = tpu.memref_slice %arg4[%add3A_22, %dma_wait3A_24] : memref<4096x8192xf32, #tpu.memory_space<hbm>> -> memref<2x8192xf32, #tpu.memory_space<hbm>>
    tpu.wait_dma2 semaphore(%arg12 : memref<!tpu.dma_semaphore, #tpu.memory_space<semaphore_mem>>) src(%arg8 : memref<2x8192xf32, #tpu.memory_space<vmem>>) dst(%dma_wait3A_25 : memref<2x8192xf32, #tpu.memory_space<hbm>>)
    %add3A_26 = arith.constant 124 : i32
    %add3A_27 = arith.addi %mul3A_2, %add3A_26 : i32
    %add3A_28 = arith.constant 2 : i32
    %add3A_29 = arith.addi %add3A_27, %add3A_28 : i32
    %dma_wait3A_30 = arith.constant 0 : i32
    %dma_wait3A_31 = tpu.memref_slice %arg4[%add3A_29, %dma_wait3A_30] : memref<4096x8192xf32, #tpu.memory_space<hbm>> -> memref<2x8192xf32, #tpu.memory_space<hbm>>
    %dma_wait3A_32 = arith.constant 0 : i32
    %dma_wait3A_33 = tpu.memref_slice %arg4[%add3A_29, %dma_wait3A_32] : memref<4096x8192xf32, #tpu.memory_space<hbm>> -> memref<2x8192xf32, #tpu.memory_space<hbm>>
    tpu.wait_dma2 semaphore(%arg13 : memref<!tpu.dma_semaphore, #tpu.memory_space<semaphore_mem>>) src(%arg9 : memref<2x8192xf32, #tpu.memory_space<vmem>>) dst(%dma_wait3A_33 : memref<2x8192xf32, #tpu.memory_space<hbm>>)
    return
  }
}

</mosaic_0001>

<sc_bundles>
// kernel: kernel.3.cloned.1.call-start
scs
__scs_entry_jumppad:
0x0: {  	(pc) =	sbr.rel $0x88, $3  }
0x1: {  	(tag) =	ssettag $0x0;
	lr =	simm.s32 $0x1  }
0x2: {  	[smem:$0x3F9F] =	sst lr;
	_ =	strace $0xD0000000  }
0x3: {  	_ = 	snop  }
0x4: {  	_ = 	snop  }
0x5: {  	_ = 	snop  }
0x6: {  	_ = 	snop  }
0x7: {  	_ = 	snop  }
__scs_overlays_trampoline_lowered:
0x8: {  	[smem:$0x3FAE] =	sst s0  }
0x9: {  	[smem:$0x3FAF] =	sst s1  }
0xa: {  	[smem:$0x3FB0] =	sst s2  }
0xb: {  	[smem:$0x3FB1] =	sst s3  }
0xc: {  	[smem:$0x3FB2] =	sst s4  }
0xd: {  	[smem:$0x3FB3] =	sst s5  }
0xe: {  	[smem:$0x3FB4] =	sst s6  }
0xf: {  	[smem:$0x3FB5] =	sst s7  }
0x10: {  	[smem:$0x3FB6] =	sst s8  }
0x11: {  	[smem:$0x3FB7] =	sst s9;
	s0 =	simm.s32 @!p0 $0x0  }
0x12: {  	s1 =	sld [smem:$0x3F9D];
	s0 =	simm.s32 @p0 $0x1  }
0x13: {  	[smem:$0x3FB8] =	sst s0;
	s0 =	simm.s32 @!p1 $0x0  }
0x14: {  	s2 =	sld [smem:$0x3F9C];
	s0 =	simm.s32 @p1 $0x1  }
0x15: {  	[smem:$0x3FB9] =	sst s0;
	s0 =	simm.s32 @!p2 $0x0  }
0x16: {  	s3 =	sld [smem:$0x3FDB];
	s0 =	simm.s32 @p2 $0x1  }
0x17: {  	s4 =	simm.s32 $0x1BF5;
	[smem:$0x3FBB] =	sst s0  }
0x18: {  	s0 =	sld [smem:$0x3F9E];
	_ =	swait.ge [sflag:s4], $0x0  }
0x19: {  	s7 =	sld [smem:$0x3F9F]  }
0x1a: {  	s8 =	sadd.s32 $0xFFFFE003, lr  }
0x1b: {  	s9 =	sadd.s32 $0xFFFFFEF7, lr;
	s5 =	simm.s32 $0xFFFFFFFF;
	p2 =	slt.u32 s8, $0xFFFFF086  }
0x1c: {  	p1 =	slt.u32 s9, $0xF7A;
	s5 =	simm.s32 @!p2 $0x0  }
0x1d: {  	s5 =	simm.s32 @p1 $0x1;
	p0 =	seq.s32 s7, s2  }
0x1e: {  	s7 =	smul.u32 @!p0 $0xF7A, s2;
	p2 =	seq.s32 @!p0 s5, $0x0  }
0x1f: {  	s9 =	smul.u32 $0xF7A, s1;
	s8 =	simm.s32 @!p0 $0x1BF5;
	p2 =	por !p2, p0  }
0x20: {  	[sflag:s8] =	ssyncset.s32 @!p0 $0xFFFFF086;
	s6 =	sadd.s32 @!p0 s3, s7;
	s7 =	simm.s32 @!p0 $0x108  }
0x21: {  	s3 =	sadd.s32 s3, s9;
	s6 =	sadd.s32 @!p0 $0x88, s6;
	s7 =	simm.s32 @p2 $0x1082  }
0x22: {  	[simem:s7], [sflag:s8] =	dma.local @!p0 [hbm:s6], $0xF7A  }
0x23: {  	s9 =	sor.u32 $0xD0000000, s2;
	s6 =	simm.s32 $0x108;
	_ =	swait.ge @!p0 [sflag:s8], $0x0  }
0x24: {  	s3 =	sadd.s32 $0x88, s3;
	s6 =	simm.s32 @!p1 $0x1082;
	[sflag:s4] =	ssyncset.s32 $0xFFFFF086  }
0x25: {  	[simem:s6], [sflag:s4] =	dma.local [hbm:s3], $0xF7A  }
0x26: {  	[smem:$0x3F9F] =	sst s1;
	(tag) =	ssettag s2;
	_ =	strace s9  }
0x27: {  	s1 =	sld [smem:$0x3FAF]  }
0x28: {  	s2 =	sld [smem:$0x3FB0]  }
0x29: {  	s4 =	sld [smem:$0x3FB2]  }
0x2a: {  	p0 =	seq.s32 s5, $0x0;
	s5 =	sld [smem:$0x3FB3]  }
0x2b: {  	s6 =	sld [smem:$0x3FB4]  }
0x2c: {  	s7 =	sld [smem:$0x3FB5]  }
0x2d: {  	s3 =	simm.s32 $0x108;
	s8 =	sld [smem:$0x3FB6]  }
0x2e: {  	s3 =	simm.s32 @!p0 $0x1082;
	s9 =	sld [smem:$0x3FB7]  }
0x2f: {  	lr =	sadd.s32 s0, s3;
	s0 =	sld [smem:$0x3FAE]  }
0x30: {  	s3 =	sld [smem:$0x3FB1]  }
0x31: {  	[smem:$0x3FBA] =	sst s10  }
0x32: {  	s10 =	sld [smem:$0x3FB8];
	_ =	sdelay $0x3  }
0x33: {  	p0 =	seq.s32 s10, $0x1;
	s10 =	sld [smem:$0x3FBA];
	_ =	sdelay $0x3  }
0x34: {  	[smem:$0x3FBA] =	sst s10  }
0x35: {  	s10 =	sld [smem:$0x3FB9];
	_ =	sdelay $0x3  }
0x36: {  	p1 =	seq.s32 s10, $0x1;
	s10 =	sld [smem:$0x3FBA];
	_ =	sdelay $0x3  }
0x37: {  	[smem:$0x3FBA] =	sst s10  }
0x38: {  	s10 =	sld [smem:$0x3FBB]  }
0x39: {  	_ = 	snop;
	(pc) =	sbr.ind lr, $3  }
0x3a: {  	_ = 	snop  }
0x3b: {  	_ = 	snop  }
0x3c: {  	p2 =	seq.s32 s10, $0x1;
	s10 =	sld [smem:$0x3FBA]  }
0x3d: {  	_ =	shalt  }
0x3e: {  	_ =	shalt  }
0x3f: {  	_ =	shalt  }
0x40: {  	_ =	shalt  }
0x41: {  	_ =	shalt  }
0x42: {  	_ =	shalt  }
0x43: {  	_ =	shalt  }
0x44: {  	_ =	shalt  }
0x45: {  	_ =	shalt  }
0x46: {  	_ =	shalt  }
0x47: {  	_ =	shalt  }
0x48: {  	_ =	shalt  }
0x49: {  	_ =	shalt  }
0x4a: {  	_ =	shalt  }
0x4b: {  	_ =	shalt  }
0x4c: {  	_ =	shalt  }
0x4d: {  	_ =	shalt  }
0x4e: {  	_ =	shalt  }
0x4f: {  	_ =	shalt  }
0x50: {  	_ =	shalt  }
0x51: {  	_ =	shalt  }
0x52: {  	_ =	shalt  }
0x53: {  	_ =	shalt  }
0x54: {  	_ =	shalt  }
0x55: {  	_ =	shalt  }
0x56: {  	_ =	shalt  }
0x57: {  	_ =	shalt  }
0x58: {  	_ =	shalt  }
0x59: {  	_ =	shalt  }
0x5a: {  	_ =	shalt  }
0x5b: {  	_ =	shalt  }
0x5c: {  	_ =	shalt  }
0x5d: {  	_ =	shalt  }
0x5e: {  	_ =	shalt  }
0x5f: {  	_ =	shalt  }
0x60: {  	_ =	shalt  }
0x61: {  	_ =	shalt  }
0x62: {  	_ =	shalt  }
0x63: {  	_ =	shalt  }
0x64: {  	_ =	shalt  }
0x65: {  	_ =	shalt  }
0x66: {  	_ =	shalt  }
0x67: {  	_ =	shalt  }
0x68: {  	_ =	shalt  }
0x69: {  	_ =	shalt  }
0x6a: {  	_ =	shalt  }
0x6b: {  	_ =	shalt  }
0x6c: {  	_ =	shalt  }
0x6d: {  	_ =	shalt  }
0x6e: {  	_ =	shalt  }
0x6f: {  	_ =	shalt  }
0x70: {  	_ =	shalt  }
0x71: {  	_ =	shalt  }
0x72: {  	_ =	shalt  }
0x73: {  	_ =	shalt  }
0x74: {  	_ =	shalt  }
0x75: {  	_ =	shalt  }
0x76: {  	_ =	shalt  }
0x77: {  	_ =	shalt  }
0x78: {  	_ =	shalt  }
0x79: {  	_ =	shalt  }
0x7a: {  	_ =	shalt  }
0x7b: {  	_ =	shalt  }
0x7c: {  	_ =	shalt  }
0x7d: {  	_ =	shalt  }
0x7e: {  	_ =	shalt  }
0x7f: {  	_ =	shalt  }
0x80: {  	_ =	shalt  }
0x81: {  	_ =	shalt  }
0x82: {  	_ =	shalt  }
0x83: {  	_ =	shalt  }
0x84: {  	_ =	shalt  }
0x85: {  	_ =	shalt  }
0x86: {  	_ =	shalt  }
0x87: {  	_ =	shalt  }
.Lfunc_end0:
.L_simem_size_0:
called_computation_lowered:
.L_overlay_start_0:
0x88: {  	s2 =	sld [smem:$0x3FD9]  }
0x89: {  	s3 =	sld [smem:$0x3FFE];
	_ =	sdelay $0x1  }
0x8a: {  	s1 =	srdreg.scid  }
0x8b: {  	s0 =	sand.u32 $0x1, s1  }
0x8c: {  	s18 =	sshll.u32 s0, $0xA;
	s2 =	sadd.s32 s3, s2  }
0x8d: {  	s2 =	sadd.s32 s2, s18  }
0x8e: {  	[smem:$0x3FC6] =	sst s2  }
0x8f: {  	_ = 	snop  }
0x90: {  	s2 =	sld [smem:$0x3FC9]  }
0x91: {  	s19 =	sld [smem:$0x3FC8]  }
0x92: {  	s4 =	sld [smem:$0x3FD0];
	(tm) =	ssettm $0x1  }
0x93: {  	s5 =	sld [smem:$0x3FFB];
	_ =	sdelay $0x3  }
0x94: {  	_ =	strace s5  }
0x95: {  	s5 =	sld [smem:$0x3FFC];
	_ =	sdelay $0x3  }
0x96: {  	_ =	strace s5  }
0x97: {  	s5 =	sld [smem:$0x3FFD];
	_ =	sdelay $0x3  }
0x98: {  	_ =	strace s5  }
0x99: {  	_ =	strace $0x8FFFFFFF  }
0x9a: {  	s20 =	sld [smem:$0x3FDB];
	_ =	sdelay $0x1  }
0x9b: {  	s6 =	simm.s32 $_scs_section_size  }
0x9c: {  	s7 =	simm.s32 $_size__tile_overlayer_lowered;
	s8 =	simm.s32 $_tile_overlayer_lowered  }
0x9d: {  	s23 =	simm.s32 $0x1BFF;
	s22 =	sshll.u32 s8, $0x1;
	s5 =	sadd.s32 s6, s20  }
0x9e: {  	s9 =	simm.s32 $0x0;
	s21 =	sshll.u32 s7, $0x1;
	s7 =	sadd.s32 s22, s5  }
0x9f: {  	[timem:s9], [sflag:s23] =	dma.local [hbm:s7], s21  }
0xa0: {  	_ =	swait.ge [sflag:s23], s21  }
0xa1: {  	s6 =	ssub.s32 $0x0, s21;
	[sflag:s23] =	ssyncset.done $0x0  }
0xa2: {  	[sflag:s23] =	ssyncadd.s32 s6;
	_ =	sdelay $0x1  }
0xa3: {  	s24 =	simm.s32 $0x1B8B  }
0xa4: {  	_ =	swait.ge [sflag:s24], $0x1  }
0xa5: {  	[sflag:s24] =	ssyncset.done $0x0  }
0xa6: {  	s25 =	simm.s32 $0x1B8E;
	[sflag:s24] =	ssyncadd.s32 $0xFFFFFFFF  }
0xa7: {  	s26 =	simm.s32 $execute0_lowered;
	[smem:$0x3FD2] =	sst s25  }
0xa8: {  	s6 =	sshll.u32 s26, $0x1;
	_ =	strace $0x80000046;
	[dreg:$0x1] =	wrdreg $0xFFFFFFFF  }
0xa9: {  	s28 =	simm.s32 $_size_execute0_lowered;
	s5 =	sadd.s32 s5, s6;
	[dreg:$0x0] =	wrdreg $0x0  }
0xaa: {  	s6 =	sshll.u32 s28, $0x1;
	[dreg:$0x2] =	wrdreg s5  }
0xab: {  	[dreg:$0x3] =	wrdreg s6  }
0xac: {  	[dreg:$0x4] =	wrdreg $0xC0  }
0xad: {  	_ =	task [dreg:s9], $0x5FFFF  }
0xae: {  	[dreg:$0x1] =	wrdreg $0xFFFFFFFF  }
0xaf: {  	[dreg:$0x0] =	wrdreg $0x60  }
0xb0: {  	[dreg:$0x2] =	wrdreg s2  }
0xb1: {  	[dreg:$0x3] =	wrdreg s19  }
0xb2: {  	[dreg:$0x4] =	wrdreg s4  }
0xb3: {  	[dreg:$0x5] =	wrdreg $0x9  }
0xb4: {  	_ =	task.clear_ibuf [dreg:s9], $0x6FFFF;
	_ =	strace $0x90000046  }
0xb5: {  	s29 =	simm.s32 $0x9;
	_ =	strace $0x80000048  }
0xb6: {  	_ =	swait.ge [sflag:s29], $0x1  }
0xb7: {  	[sflag:s29] =	ssyncadd.s32 $0xFFFFFFFF  }
0xb8: {  	_ =	strace $0x90000048  }
0xb9: {  	_ =	sfence  }
0xba: {  	s30 =	sld [smem:$0x0];
	_ =	sdelay $0x2  }
0xbb: {  	s31 =	sshll.u32 s1, $0xD;
	s1 =	sshrl.u32 s1, $0x2  }
0xbc: {  	s3 =	sand.u32 $0x4000, s31;
	s1 =	sadd.s32 s1, s30  }
0xbd: {  	s0 =	sor.u32 s3, s0;
	s1 =	sshll.u32 s1, $0x11  }
0xbe: {  	s0 =	sor.u32 s1, s0  }
0xbf: {  	s0 =	sadd.s32 $0x8F2B, s0  }
0xc0: {  	[sflag:s0] =	ssyncadd.remote.s32 $0x1  }
0xc1: {  	_ =	sfence.sel $0xFFFF  }
0xc2: {  	[dreg:$0x0] =	wrdreg $0xFFFFFFFF;
	(pc) =	sbr.abs _section_cstart, $3  }
0xc3: {  	[dreg:$0x1] =	wrdreg $0xFFFFFFFF  }
0xc4: {  	_ =	task.clear_ibuf [dreg:s9], $0x2FFFF;
	_ =	strace $0x9FFFFFFF  }
0xc5: {  	(tm) =	ssettm $0x7FFFFFFF  }
tec
execute0_lowered:
.L_overlay_start_1:
0x0: {  	(tag) =	ssettag $0x1  }
0x1: {  	s0 =	rddreg [dreg:$0x0]  }
0x2: {  	s3 =	rddreg [dreg:$0x2];
	s1 =	srdreg.scid  }
0x3: {  	s2 =	stileid.u32;
	s4 =	simm.s32 $0x0;
	s14 =	simm.s32 $0x5  }
0x4: {  	s15 =	simm.s32 $0x200;
	s16 =	simm.s32 $0x400;
	s17 =	simm.s32 $0x2000  }
0x5: {  	s18 =	simm.s32 $0xA000;
	s19 =	simm.s32 $0x1;
	s20 =	simm.s32 $0x100  }
0x6: {  	s21 =	simm.s32 $0x12000;
	s22 =	simm.s32 $0x16000;
	s23 =	simm.s32 $0x2  }
0x7: {  	s24 =	simm.s32 $0x3;
	s25 =	simm.s32 $0x4;
	s26 =	simm.s32 $0x0  }
0x8: {  	s1 =	sand.u32 $0x1, s1;
	s2 =	sshll.u32 s2, $0x12;
	[smem:$0x7FF] =	sst s4  }
.Ltmp0:
0x9: {  	s8 =	sadd.s32 $0x20, s3;
	s5 =	sshll.u32 s1, $0x11;
	(pc) =	sbr.rel .LBB2_1-.Ltmp0, $4  }
0xa: {  	s10 =	sadd.s32 $0x40, s3;
	s1 =	ssub.s32 $0x2, s1;
	s5 =	sor.u32 s5, s2  }
0xb: {  	s11 =	sadd.s32 $0x60, s3;
	s30 =	sshrl.u32 s1, $0x1;
	s6 =	sadd.s32 s0, s5  }
0xc: {  	_ =	strace $0x80000047;
	s31 =	ssub.s32 s1, s30;
	s7 =	sadd.s32 $0x40, s6  }
0xd: {  	s9 =	sadd.s32 $0x2000, s6;
	s12 =	sadd.s32 $0x2040, s6;
	s13 =	smax.u32 s31, $0x1  }
.LBB2_12:
0xe: {  	s26 =	sadd.s32 $0x1, s26  }
0xf: {  	_ =	swait.ge [sflag:s24], $0x4000;
	p0 =	sne.s32 s26, s13  }
.Ltmp1:
0x10: {  	[sflag:s24] =	ssyncset.done $0x0;
	(pc) =	sbr.rel @!p0 .LBB2_13-.Ltmp1, $4  }
0x11: {  	[sflag:s24] =	ssyncadd.s32 $0xFFFFC000  }
0x12: {  	_ =	swait.ge [sflag:s25], $0x4000  }
0x13: {  	[sflag:s25] =	ssyncset.done $0x0  }
0x14: {  	[sflag:s25] =	ssyncadd.s32 $0xFFFFC000  }
.LBB2_1:
0x15: {  	s0 =	rddreg [dreg:$0x1]  }
0x16: {  	[tilespmem:s4], [sflag:$0x5] =	stream.linear.gather [hbm4b:s0+s4], $0x2000, $0x38;
	[tilespmem:$0x1A000] =	vst v63  }
0x17: {  	_ =	swait.ge [sflag:s14], $0x2000  }
0x18: {  	[sflag:s14] =	ssyncset.done $0x0  }
0x19: {  	[sflag:s14] =	ssyncadd.s32 $0xFFFFE000  }
0x1a: {  	[tilespmem:s17], [sflag:$0x1] =	stream.strided.gather [hbm4b:s6+s15], $0x8000, s16, s15, $0x38;
	[tilespmem:$0x1A000] =	vst v63  }
0x1b: {  	s28 =	simm.s32 $0x0  }
0x1c: {  	[tilespmem:s18], [sflag:$0x2] =	stream.strided.gather [hbm4b:s7+s15], $0x8000, s16, s15, $0x38;
	[tilespmem:$0x1A000] =	vst v63  }
.LBB2_2:
0x1d: {  	_ =	swait.ge [sflag:s19], $0x8000  }
0x1e: {  	p0 =	seq.s32 s28, $0x0;
	[sflag:s19] =	ssyncset.done $0x0  }
0x1f: {  	s0 =	simm.s32 @!p0 $0x3;
	[sflag:s19] =	ssyncadd.s32 $0xFFFF8000  }
0x20: {  	_ =	swait.ge @!p0 [sflag:s0], $0x4000  }
0x21: {  	[sflag:s0] =	ssyncset.done @!p0 $0x0  }
0x22: {  	s31 =	simm.s32 $0x40;
	[sflag:s0] =	ssyncadd.s32 @!p0 $0xFFFFC000  }
0x23: {  	v0 =	vld [tilespmem:s31+$0xFFFFFFC0]  }
0x24: {  	v1 =	vld [tilespmem:s31+$0x30];
	_ =	sdelay $0x3  }
0x25: {  	v4 =	vld [tilespmem:s31+$0x20];
	v2 =	vshll.u32 v0, $0x2  }
0x26: {  	v5 =	vld [tilespmem:s31+$0xFFFFFFE0];
	v3 =	vshll.u32 v1, $0x2;
	v0 =	vand.u32 $0x7F, v0;
	v2 =	vand.u32 $0xFFFFFE00, v2  }
0x27: {  	v1 =	vand.u32 $0x7F, v1;
	v3 =	vand.u32 $0xFFFFFE00, v3;
	v0 =	vor.u32 v0, v2  }
0x28: {  	v6 =	vld [tilespmem:s31+$0x0];
	v1 =	vor.u32 v1, v3  }
0x29: {  	v3 =	vld [tilespmem:s31+$0x10]  }
0x2a: {  	v7 =	vshll.u32 v4, $0x2;
	v2 =	vld [tilespmem:s31+$0xFFFFFFF0]  }
0x2b: {  	v8 =	vld [tilespmem:s31+$0xFFFFFFD0];
	v4 =	vand.u32 $0x7F, v4;
	v14 =	vshll.u32 v5, $0x2;
	v7 =	vand.u32 $0xFFFFFE00, v7  }
0x2c: {  	v5 =	vand.u32 $0x7F, v5;
	v14 =	vand.u32 $0xFFFFFE00, v14;
	v4 =	vor.u32 v4, v7;
	v9 =	vld.idx.msk [tilespmem:v0+s17+$0x0], $0xffff  }
0x2d: {  	s30 =	simm.s32 $0xC0;
	v5 =	vor.u32 v5, v14;
	v10 =	vor.u32 $0x80, v0;
	v7 =	vld.idx.msk [tilespmem:v1+s17+$0x0], $0xffff  }
0x2e: {  	v15 =	vld [tilespmem:s30+$0x30];
	v12 =	vor.u32 $0x80, v1;
	v11 =	vshll.u32 v3, $0x2;
	v3 =	vand.u32 $0x7F, v3  }
0x2f: {  	v16 =	vld [tilespmem:s30+$0xFFFFFFC0];
	v13 =	vand.u32 $0x7F, v2;
	v2 =	vshll.u32 v2, $0x2;
	v11 =	vand.u32 $0xFFFFFE00, v11  }
0x30: {  	s0 =	simm.s32 $0x12080;
	v18 =	vld [tilespmem:s30+$0x20];
	v2 =	vand.u32 $0xFFFFFE00, v2;
	v3 =	vor.u32 v3, v11;
	v11 =	vshll.u32 v6, $0x2  }
0x31: {  	v6 =	vand.u32 $0x7F, v6;
	v13 =	vor.u32 v13, v2;
	v2 =	vand.u32 $0xFFFFFE00, v11;
	[tilespmem:s0+$0xFFFFFF80] =	vst v9;
	v9 =	vld.idx.msk [tilespmem:v4+s17+$0x0], $0xffff  }
0x32: {  	v6 =	vor.u32 v6, v2;
	[tilespmem:s0+$0xFFFFFFF0] =	vst v7;
	v7 =	vshll.u32 v8, $0x2;
	v10 =	vld.idx.msk [tilespmem:v10+s17+$0x0], $0xffff  }
0x33: {  	v4 =	vor.u32 $0x80, v4;
	v8 =	vand.u32 $0x7F, v8;
	v11 =	vld.idx.msk [tilespmem:v12+s17+$0x0], $0xffff;
	v7 =	vand.u32 $0xFFFFFE00, v7  }
0x34: {  	v12 =	vld.idx.msk [tilespmem:v5+s17+$0x0], $0xffff;
	v7 =	vor.u32 v8, v7  }
0x35: {  	v8 =	vld.idx.msk [tilespmem:v3+s17+$0x0], $0xffff  }
0x36: {  	v14 =	vld.idx.msk [tilespmem:v13+s17+$0x0], $0xffff;
	v3 =	vor.u32 $0x80, v3  }
0x37: {  	v5 =	vor.u32 $0x80, v5;
	v17 =	vld.idx.msk [tilespmem:v6+s17+$0x0], $0xffff;
	[tilespmem:s0+$0xFFFFFFE0] =	vst v9  }
0x38: {  	v9 =	vor.u32 $0x80, v13;
	v13 =	vld.idx.msk [tilespmem:v4+s17+$0x0], $0xffff  }
0x39: {  	v6 =	vor.u32 $0x80, v6;
	[tilespmem:s0+$0x0] =	vst v10;
	v4 =	vld.idx.msk [tilespmem:v7+s17+$0x0], $0xffff  }
0x3a: {  	v0 =	vld [tilespmem:s30+$0xFFFFFFE0];
	[tilespmem:s0+$0xFFFFFFD0] =	vst v8  }
0x3b: {  	[tilespmem:s0+$0xFFFFFFA0] =	vst v12;
	v19 =	vld.idx.msk [tilespmem:v3+s17+$0x0], $0xffff  }
0x3c: {  	[tilespmem:s0+$0x70] =	vst v11;
	v10 =	vshll.u32 v16, $0x2;
	v3 =	vld.idx.msk [tilespmem:v5+s17+$0x0], $0xffff;
	v5 =	vshll.u32 v15, $0x2  }
0x3d: {  	v2 =	vld [tilespmem:s30+$0x10];
	v11 =	vand.u32 $0x7F, v15;
	v7 =	vor.u32 $0x80, v7;
	[tilespmem:s0+$0xFFFFFFC0] =	vst v17;
	v5 =	vand.u32 $0xFFFFFE00, v5  }
0x3e: {  	v10 =	vand.u32 $0xFFFFFE00, v10;
	[tilespmem:s0+$0xFFFFFF90] =	vst v4;
	v4 =	vld.idx.msk [tilespmem:v6+s17+$0x0], $0xffff;
	v6 =	vor.u32 v11, v5;
	v11 =	vand.u32 $0x7F, v16  }
0x3f: {  	[tilespmem:s0+$0xFFFFFFB0] =	vst v14;
	v8 =	vld [tilespmem:s30+$0x0];
	v10 =	vor.u32 v11, v10  }
0x40: {  	v9 =	vld.idx.msk [tilespmem:v9+s17+$0x0], $0xffff  }
0x41: {  	v1 =	vld [tilespmem:s30+$0xFFFFFFF0]  }
0x42: {  	v12 =	vshll.u32 v18, $0x2;
	[tilespmem:s0+$0x60] =	vst v13;
	v5 =	vld.idx.msk [tilespmem:v7+s17+$0x0], $0xffff  }
0x43: {  	s29 =	sshll.u32 s28, $0xD;
	s2 =	simm.s32 $0x8;
	s1 =	simm.s32 $0x12080;
	v11 =	vand.u32 $0xFFFFFE00, v12;
	v7 =	vld [tilespmem:s30+$0xFFFFFFD0];
	v12 =	vand.u32 $0x7F, v18;
	[tilespmem:s0+$0x50] =	vst v19  }
.LBB2_3:
0x44: {  	s2 =	sadd.s32 $0x8, s2;
	v13 =	vld.idx.msk [tilespmem:v10+s17+$0x0], $0xffff;
	v10 =	vor.u32 $0x80, v10;
	v14 =	vshll.u32 v2, $0x2;
	v15 =	vor.u32 $0x80, v6;
	s0 =	sadd.s32 $0x100, s0  }
0x45: {  	v2 =	vand.u32 $0x7F, v2;
	v11 =	vor.u32 v12, v11;
	s30 =	sadd.s32 $0x80, s30;
	p1 =	slt.u32 s2, $0x1F8;
	v16 =	vand.u32 $0x7F, v8;
	v6 =	vld.idx.msk [tilespmem:v6+s17+$0x0], $0xffff;
	[tilespmem:s1+$0x30] =	vst v9  }
0x46: {  	v12 =	vand.u32 $0x7F, v1;
	v17 =	vshll.u32 v1, $0x2;
	v18 =	vor.u32 $0x80, v11;
	v9 =	vld [tilespmem:s30+$0xFFFFFFE0];
	[tilespmem:s1+$0x20] =	vst v3  }
0x47: {  	v17 =	vand.u32 $0xFFFFFE00, v17;
	v8 =	vshll.u32 v8, $0x2;
	v3 =	vshll.u32 v0, $0x2;
	v1 =	vld [tilespmem:s30+$0xFFFFFFF0];
	[tilespmem:s1+$0x40] =	vst v4  }
0x48: {  	v14 =	vand.u32 $0xFFFFFE00, v14;
	v3 =	vand.u32 $0xFFFFFE00, v3;
	v4 =	vld [tilespmem:s30+$0x30];
	v19 =	vand.u32 $0x7F, v7;
	[tilespmem:s1+$0x10] =	vst v5;
	s1 =	smov.u32 s0  }
0x49: {  	v20 =	vand.u32 $0x7F, v0;
	v12 =	vor.u32 v12, v17;
	v14 =	vor.u32 v2, v14;
	v5 =	vld [tilespmem:s30+$0xFFFFFFC0]  }
0x4a: {  	v2 =	vshll.u32 v7, $0x2;
	v3 =	vor.u32 v20, v3;
	[tilespmem:s0+$0xFFFFFF80] =	vst v13;
	v13 =	vand.u32 $0xFFFFFE00, v8;
	v7 =	vld.idx.msk [tilespmem:v11+s17+$0x0], $0xffff  }
0x4b: {  	v2 =	vand.u32 $0xFFFFFE00, v2;
	v8 =	vld.idx.msk [tilespmem:v10+s17+$0x0], $0xffff;
	v10 =	vor.u32 v16, v13;
	[tilespmem:s0+$0xFFFFFFF0] =	vst v6;
	v0 =	vmov v9  }
0x4c: {  	v9 =	vor.u32 v19, v2;
	v11 =	vld.idx.msk [tilespmem:v15+s17+$0x0], $0xffff  }
0x4d: {  	v2 =	vld [tilespmem:s30+$0x10];
	v6 =	vand.u32 $0x7F, v4;
	v4 =	vshll.u32 v4, $0x2  }
0x4e: {  	v13 =	vshll.u32 v5, $0x2;
	v4 =	vand.u32 $0xFFFFFE00, v4;
	v15 =	vld.idx.msk [tilespmem:v14+s17+$0x0], $0xffff  }
0x4f: {  	v13 =	vand.u32 $0xFFFFFE00, v13;
	v6 =	vor.u32 v6, v4;
	v4 =	vld.idx.msk [tilespmem:v3+s17+$0x0], $0xffff  }
0x50: {  	v14 =	vor.u32 $0x80, v14;
	v16 =	vld.idx.msk [tilespmem:v12+s17+$0x0], $0xffff;
	[tilespmem:s0+$0xFFFFFFE0] =	vst v7  }
0x51: {  	v3 =	vor.u32 $0x80, v3;
	[tilespmem:s0+$0x0] =	vst v8;
	v7 =	vld.idx.msk [tilespmem:v10+s17+$0x0], $0xffff  }
0x52: {  	v8 =	vor.u32 $0x80, v12;
	v12 =	vld.idx.msk [tilespmem:v18+s17+$0x0], $0xffff;
	[tilespmem:s0+$0x70] =	vst v11  }
0x53: {  	v11 =	vld.idx.msk [tilespmem:v9+s17+$0x0], $0xffff  }
0x54: {  	v19 =	vor.u32 $0x80, v10;
	v18 =	vor.u32 $0x80, v9;
	v17 =	vld [tilespmem:s30+$0x20];
	[tilespmem:s0+$0xFFFFFFD0] =	vst v15  }
0x55: {  	[tilespmem:s0+$0xFFFFFFA0] =	vst v4;
	v14 =	vld.idx.msk [tilespmem:v14+s17+$0x0], $0xffff  }
0x56: {  	v4 =	vand.u32 $0x7F, v5;
	v3 =	vld.idx.msk [tilespmem:v3+s17+$0x0], $0xffff;
	[tilespmem:s0+$0xFFFFFFB0] =	vst v16  }
.Ltmp2:
0x57: {  	v10 =	vor.u32 v4, v13;
	v9 =	vld.idx.msk [tilespmem:v8+s17+$0x0], $0xffff;
	[tilespmem:s0+$0xFFFFFFC0] =	vst v7;
	(pc) =	sbr.rel @p1 .LBB2_3-.Ltmp2, $4  }
0x58: {  	v8 =	vld [tilespmem:s30+$0x0];
	[tilespmem:s0+$0x60] =	vst v12  }
0x59: {  	v5 =	vshll.u32 v17, $0x2;
	[tilespmem:s0+$0xFFFFFF90] =	vst v11;
	v4 =	vld.idx.msk [tilespmem:v19+s17+$0x0], $0xffff  }
0x5a: {  	v11 =	vand.u32 $0xFFFFFE00, v5;
	v5 =	vld.idx.msk [tilespmem:v18+s17+$0x0], $0xffff  }
0x5b: {  	v12 =	vand.u32 $0x7F, v17;
	v7 =	vld [tilespmem:s30+$0xFFFFFFD0];
	[tilespmem:s0+$0x50] =	vst v14  }
0x5c: {  	_ =	sdelay $0x2  }
0x5d: {  	v13 =	vor.u32 $0x80, v10  }
0x5e: {  	v10 =	vld.idx.msk [tilespmem:v10+s17+$0x0], $0xffff;
	v14 =	vshll.u32 v2, $0x2;
	v15 =	vor.u32 $0x80, v6;
	v11 =	vor.u32 v12, v11  }
0x5f: {  	v2 =	vand.u32 $0x7F, v2;
	v6 =	vld.idx.msk [tilespmem:v6+s17+$0x0], $0xffff;
	v16 =	vand.u32 $0x7F, v1;
	v1 =	vshll.u32 v1, $0x2  }
0x60: {  	v17 =	vshll.u32 v0, $0x2;
	v0 =	vand.u32 $0x7F, v0;
	v14 =	vand.u32 $0xFFFFFE00, v14  }
0x61: {  	v12 =	vand.u32 $0x7F, v8;
	v1 =	vand.u32 $0xFFFFFE00, v1;
	v2 =	vor.u32 v2, v14  }
0x62: {  	s0 =	sadd.s32 $0x100, s0;
	[tilespmem:s1+$0x30] =	vst v9;
	v8 =	vshll.u32 v8, $0x2;
	v9 =	vand.u32 $0xFFFFFE00, v17;
	v1 =	vor.u32 v16, v1  }
0x63: {  	v0 =	vor.u32 v0, v9;
	v8 =	vand.u32 $0xFFFFFE00, v8;
	[tilespmem:s0+$0xFFFFFF80] =	vst v10;
	v10 =	vshll.u32 v7, $0x2;
	v9 =	vld.idx.msk [tilespmem:v11+s17+$0x0], $0xffff  }
0x64: {  	v8 =	vor.u32 v12, v8;
	v7 =	vand.u32 $0x7F, v7;
	[tilespmem:s0+$0xFFFFFFF0] =	vst v6;
	v13 =	vld.idx.msk [tilespmem:v13+s17+$0x0], $0xffff;
	v10 =	vand.u32 $0xFFFFFE00, v10  }
0x65: {  	[tilespmem:s1+$0x20] =	vst v3;
	v6 =	vld.idx.msk [tilespmem:v15+s17+$0x0], $0xffff;
	v3 =	vor.u32 v7, v10  }
0x66: {  	[tilespmem:s1+$0x40] =	vst v4;
	v7 =	vor.u32 $0x80, v11;
	v4 =	vld.idx.msk [tilespmem:v2+s17+$0x0], $0xffff  }
0x67: {  	[tilespmem:s1+$0x10] =	vst v5;
	v5 =	vld.idx.msk [tilespmem:v1+s17+$0x0], $0xffff;
	v2 =	vor.u32 $0x80, v2  }
0x68: {  	v10 =	vld.idx.msk [tilespmem:v0+s17+$0x0], $0xffff;
	v1 =	vor.u32 $0x80, v1;
	[tilespmem:s0+$0xFFFFFFE0] =	vst v9  }
0x69: {  	v0 =	vor.u32 $0x80, v0;
	v9 =	vld.idx.msk [tilespmem:v8+s17+$0x0], $0xffff;
	[tilespmem:s0+$0x0] =	vst v13  }
0x6a: {  	v8 =	vor.u32 $0x80, v8;
	[tilespmem:s0+$0x70] =	vst v6;
	v6 =	vld.idx.msk [tilespmem:v3+s17+$0x0], $0xffff  }
0x6b: {  	v7 =	vld.idx.msk [tilespmem:v7+s17+$0x0], $0xffff;
	v3 =	vor.u32 $0x80, v3;
	[tilespmem:s0+$0xFFFFFFD0] =	vst v4  }
0x6c: {  	[tilespmem:s0+$0xFFFFFFB0] =	vst v5;
	v2 =	vld.idx.msk [tilespmem:v2+s17+$0x0], $0xffff  }
0x6d: {  	[tilespmem:s0+$0xFFFFFFA0] =	vst v10;
	v1 =	vld.idx.msk [tilespmem:v1+s17+$0x0], $0xffff  }
0x6e: {  	v0 =	vld.idx.msk [tilespmem:v0+s17+$0x0], $0xffff;
	[tilespmem:s0+$0xFFFFFFC0] =	vst v9  }
0x6f: {  	v4 =	vld.idx.msk [tilespmem:v8+s17+$0x0], $0xffff;
	[tilespmem:s0+$0xFFFFFF90] =	vst v6  }
0x70: {  	[tilespmem:s0+$0x60] =	vst v7;
	v3 =	vld.idx.msk [tilespmem:v3+s17+$0x0], $0xffff  }
0x71: {  	[tilespmem:s0+$0x50] =	vst v2  }
0x72: {  	[tilespmem:s0+$0x30] =	vst v1  }
0x73: {  	[tilespmem:s0+$0x20] =	vst v0  }
0x74: {  	s30 =	sor.u32 s5, s29;
	[tilespmem:s0+$0x40] =	vst v4  }
0x75: {  	s1 =	sadd.s32 s3, s30;
	[tilespmem:s0+$0x10] =	vst v3;
	s0 =	simm.s32 @!p0 $0x4  }
0x76: {  	[hbm4b:s1+s20] =	stream.strided.scatter [tilespmem:s21], [sflag:$0x3], $0x4000, s16, s20, $0x38;
	[tilespmem:$0x1A000] =	vst v63  }
0x77: {  	_ =	swait.ge @!p0 [sflag:s0], $0x4000  }
0x78: {  	[sflag:s0] =	ssyncset.done @!p0 $0x0  }
0x79: {  	s2 =	simm.s32 $0x40;
	[sflag:s0] =	ssyncadd.s32 @!p0 $0xFFFFC000  }
0x7a: {  	v0 =	vld [tilespmem:s2+$0xFFFFFFC0]  }
0x7b: {  	v1 =	vld [tilespmem:s2+$0x10];
	_ =	sdelay $0x2  }
0x7c: {  	v3 =	vld [tilespmem:s2+$0x30]  }
0x7d: {  	v5 =	vld [tilespmem:s2+$0x20];
	v2 =	vshll.u32 v0, $0x2  }
0x7e: {  	v4 =	vshll.u32 v1, $0x2;
	v0 =	vand.u32 $0x7F, v0;
	v2 =	vand.u32 $0xFFFFFE00, v2  }
0x7f: {  	v7 =	vld [tilespmem:s2+$0xFFFFFFF0];
	v1 =	vand.u32 $0x7F, v1;
	v4 =	vand.u32 $0xFFFFFE00, v4;
	v0 =	vor.u32 v0, v2  }
0x80: {  	v9 =	vld [tilespmem:s2+$0xFFFFFFE0];
	v1 =	vor.u32 v1, v4;
	v2 =	vor.u32 $0x100, v0  }
0x81: {  	v8 =	vshll.u32 v3, $0x2;
	v6 =	vor.u32 $0x100, v1  }
0x82: {  	v10 =	vshll.u32 v5, $0x2;
	v3 =	vand.u32 $0x7F, v3;
	v8 =	vand.u32 $0xFFFFFE00, v8  }
0x83: {  	v11 =	vld [tilespmem:s2+$0xFFFFFFD0];
	v5 =	vand.u32 $0x7F, v5;
	v10 =	vand.u32 $0xFFFFFE00, v10;
	v3 =	vor.u32 v3, v8  }
0x84: {  	v13 =	vshll.u32 v7, $0x2;
	v4 =	vld [tilespmem:s2+$0x0];
	v5 =	vor.u32 v5, v10;
	v8 =	vor.u32 $0x100, v3  }
0x85: {  	v15 =	vand.u32 $0x7F, v9;
	v13 =	vand.u32 $0xFFFFFE00, v13;
	v10 =	vor.u32 $0x100, v5;
	v2 =	vld.idx.msk [tilespmem:v2+s17+$0x0], $0xffff  }
0x86: {  	v12 =	vor.u32 $0x180, v0;
	v14 =	vor.u32 $0x180, v1;
	v1 =	vand.u32 $0x7F, v7;
	v6 =	vld.idx.msk [tilespmem:v6+s17+$0x0], $0xffff  }
0x87: {  	s0 =	simm.s32 $0xC0;
	v3 =	vor.u32 $0x180, v3;
	v13 =	vor.u32 v1, v13;
	v1 =	vshll.u32 v9, $0x2  }
0x88: {  	v60 =	vld [tilespmem:s0+$0x10];
	v9 =	vand.u32 $0x7F, v11;
	v11 =	vshll.u32 v11, $0x2;
	v61 =	vor.u32 $0x100, v13  }
0x89: {  	s31 =	simm.s32 $0x16080;
	v19 =	vand.u32 $0xFFFFFE00, v1;
	v11 =	vand.u32 $0xFFFFFE00, v11;
	v18 =	vshll.u32 v4, $0x2;
	v8 =	vld.idx.msk [tilespmem:v8+s17+$0x0], $0xffff  }
0x8a: {  	v15 =	vor.u32 v15, v19;
	v4 =	vand.u32 $0x7F, v4;
	v10 =	vld.idx.msk [tilespmem:v10+s17+$0x0], $0xffff;
	[tilespmem:s31+$0xFFFFFF80] =	vst v2;
	v2 =	vand.u32 $0xFFFFFE00, v18  }
0x8b: {  	v9 =	vor.u32 v9, v11;
	[tilespmem:s31+$0xFFFFFFD0] =	vst v6;
	v6 =	vor.u32 $0x100, v15;
	v2 =	vor.u32 v4, v2;
	v4 =	vld.idx.msk [tilespmem:v12+s17+$0x0], $0xffff  }
0x8c: {  	v12 =	vld.idx.msk [tilespmem:v14+s17+$0x0], $0xffff;
	v14 =	vor.u32 $0x100, v9  }
0x8d: {  	v7 =	vld [tilespmem:s0+$0xFFFFFFC0]  }
0x8e: {  	v17 =	vld.idx.msk [tilespmem:v61+s17+$0x0], $0xffff;
	[tilespmem:s31+$0xFFFFFFF0] =	vst v8;
	v11 =	vor.u32 $0x100, v2  }
0x8f: {  	v8 =	vor.u32 $0x180, v13;
	v13 =	vld.idx.msk [tilespmem:v3+s17+$0x0], $0xffff  }
0x90: {  	v5 =	vor.u32 $0x180, v5;
	v3 =	vld.idx.msk [tilespmem:v6+s17+$0x0], $0xffff  }
0x91: {  	[tilespmem:s31+$0xFFFFFFE0] =	vst v10;
	v10 =	vld.idx.msk [tilespmem:v14+s17+$0x0], $0xffff  }
0x92: {  	v14 =	vor.u32 $0x180, v15;
	v15 =	vld [tilespmem:s0+$0x30]  }
0x93: {  	v11 =	vld.idx.msk [tilespmem:v11+s17+$0x0], $0xffff  }
0x94: {  	v62 =	vld [tilespmem:s0+$0x20];
	[tilespmem:s31+$0xFFFFFFB0] =	vst v17  }
0x95: {  	v63 =	vld.idx.msk [tilespmem:v5+s17+$0x0], $0xffff;
	v5 =	vshll.u32 v60, $0x2;
	v6 =	vshll.u32 v7, $0x2;
	[tilespmem:s31+$0x0] =	vst v4  }
0x96: {  	v0 =	vld [tilespmem:s0+$0x0];
	v2 =	vor.u32 $0x180, v2;
	v7 =	vand.u32 $0x7F, v7;
	v6 =	vand.u32 $0xFFFFFE00, v6;
	[tilespmem:s31+$0x50] =	vst v12  }
0x97: {  	v1 =	vld [tilespmem:s0+$0xFFFFFFE0];
	v5 =	vand.u32 $0xFFFFFE00, v5;
	v4 =	vor.u32 $0x180, v9;
	v6 =	vor.u32 v7, v6;
	[tilespmem:s31+$0xFFFFFFA0] =	vst v3  }
0x98: {  	v9 =	vld.idx.msk [tilespmem:v8+s17+$0x0], $0xffff;
	v12 =	vor.u32 $0x100, v6;
	v3 =	vand.u32 $0x7F, v60;
	[tilespmem:s31+$0xFFFFFFC0] =	vst v11;
	v11 =	vshll.u32 v15, $0x2  }
0x99: {  	v8 =	vld [tilespmem:s0+$0xFFFFFFF0];
	[tilespmem:s31+$0x70] =	vst v13;
	v3 =	vor.u32 v3, v5;
	v13 =	vand.u32 $0x7F, v15;
	v11 =	vand.u32 $0xFFFFFE00, v11  }
0x9a: {  	v7 =	vld.idx.msk [tilespmem:v14+s17+$0x0], $0xffff;
	v11 =	vor.u32 v13, v11;
	v13 =	vor.u32 $0x100, v3  }
0x9b: {  	[tilespmem:s31+$0xFFFFFF90] =	vst v10;
	v10 =	vld [tilespmem:s0+$0xFFFFFFD0]  }
0x9c: {  	v5 =	vld.idx.msk [tilespmem:v2+s17+$0x0], $0xffff;
	v2 =	vshll.u32 v62, $0x2  }
0x9d: {  	[tilespmem:s31+$0x60] =	vst v63;
	v14 =	vand.u32 $0x7F, v62;
	v4 =	vld.idx.msk [tilespmem:v4+s17+$0x0], $0xffff;
	v2 =	vand.u32 $0xFFFFFE00, v2  }
0x9e: {  	s1 =	simm.s32 $0x16080;
	s2 =	simm.s32 $0x8;
	[tilespmem:s31+$0x30] =	vst v9;
	v9 =	vld.idx.msk [tilespmem:v12+s17+$0x0], $0xffff;
	v2 =	vor.u32 v14, v2;
	v12 =	vor.u32 $0x100, v11  }
.LBB2_5:
0x9f: {  	s2 =	sadd.s32 $0x8, s2;
	v6 =	vor.u32 $0x180, v6;
	v13 =	vld.idx.msk [tilespmem:v13+s17+$0x0], $0xffff;
	v3 =	vor.u32 $0x180, v3;
	v14 =	vor.u32 $0x100, v2;
	s0 =	sadd.s32 $0x80, s0;
	s31 =	sadd.s32 $0x100, s31  }
0xa0: {  	v16 =	vand.u32 $0x7F, v8;
	v8 =	vshll.u32 v8, $0x2;
	v11 =	vor.u32 $0x180, v11;
	v15 =	vld [tilespmem:s0+$0x0];
	p0 =	slt.u32 s2, $0x1F8;
	[tilespmem:s1+$0x20] =	vst v7  }
0xa1: {  	v17 =	vand.u32 $0x7F, v1;
	v1 =	vshll.u32 v1, $0x2;
	v8 =	vand.u32 $0xFFFFFE00, v8;
	v7 =	vld [tilespmem:s0+$0xFFFFFFC0];
	[tilespmem:s1+$0x40] =	vst v5  }
0xa2: {  	v8 =	vor.u32 v16, v8;
	v16 =	vshll.u32 v0, $0x2;
	v5 =	vld [tilespmem:s0+$0x10];
	v18 =	vand.u32 $0x7F, v10;
	[tilespmem:s1+$0x10] =	vst v4;
	s1 =	smov.u32 s31  }
0xa3: {  	v0 =	vand.u32 $0x7F, v0;
	v4 =	vshll.u32 v10, $0x2;
	v10 =	vor.u32 $0x100, v8;
	v12 =	vld.idx.msk [tilespmem:v12+s17+$0x0], $0xffff  }
0xa4: {  	v16 =	vand.u32 $0xFFFFFE00, v16;
	v4 =	vand.u32 $0xFFFFFE00, v4;
	[tilespmem:s31+$0xFFFFFF80] =	vst v9;
	v9 =	vand.u32 $0xFFFFFE00, v1;
	v14 =	vld.idx.msk [tilespmem:v14+s17+$0x0], $0xffff  }
0xa5: {  	v16 =	vor.u32 v0, v16;
	v4 =	vor.u32 v18, v4;
	v1 =	vld [tilespmem:s0+$0xFFFFFFE0];
	v9 =	vor.u32 v17, v9;
	[tilespmem:s31+$0xFFFFFFD0] =	vst v13  }
0xa6: {  	v18 =	vor.u32 $0x100, v16;
	v17 =	vor.u32 $0x100, v4;
	v0 =	vmovc v15;
	v13 =	vld.idx.msk [tilespmem:v6+s17+$0x0], $0xffff;
	v6 =	vor.u32 $0x100, v9  }
0xa7: {  	v15 =	vshll.u32 v5, $0x2;
	v19 =	vld.idx.msk [tilespmem:v3+s17+$0x0], $0xffff  }
0xa8: {  	v3 =	vand.u32 $0x7F, v5;
	v5 =	vand.u32 $0xFFFFFE00, v15;
	v10 =	vld.idx.msk [tilespmem:v10+s17+$0x0], $0xffff  }
0xa9: {  	v3 =	vor.u32 v3, v5;
	v15 =	vld [tilespmem:s0+$0x20];
	[tilespmem:s31+$0xFFFFFFF0] =	vst v12  }
0xaa: {  	v8 =	vor.u32 $0x180, v8;
	v5 =	vshll.u32 v7, $0x2;
	[tilespmem:s31+$0xFFFFFFE0] =	vst v14;
	v11 =	vld.idx.msk [tilespmem:v11+s17+$0x0], $0xffff  }
0xab: {  	v2 =	vor.u32 $0x180, v2;
	v7 =	vand.u32 $0x7F, v7;
	v5 =	vand.u32 $0xFFFFFE00, v5;
	v12 =	vld.idx.msk [tilespmem:v6+s17+$0x0], $0xffff  }
0xac: {  	v6 =	vor.u32 v7, v5;
	[tilespmem:s31+$0x0] =	vst v13;
	v5 =	vld.idx.msk [tilespmem:v18+s17+$0x0], $0xffff  }
0xad: {  	v7 =	vor.u32 $0x180, v9;
	v14 =	vld.idx.msk [tilespmem:v17+s17+$0x0], $0xffff;
	[tilespmem:s31+$0x50] =	vst v19  }
0xae: {  	v4 =	vor.u32 $0x180, v4;
	v9 =	vld [tilespmem:s0+$0x30];
	[tilespmem:s31+$0xFFFFFFB0] =	vst v10;
	v10 =	vor.u32 $0x180, v16  }
0xaf: {  	v16 =	vld.idx.msk [tilespmem:v8+s17+$0x0], $0xffff  }
0xb0: {  	v17 =	vld.idx.msk [tilespmem:v2+s17+$0x0], $0xffff;
	[tilespmem:s31+$0x70] =	vst v11  }
0xb1: {  	v2 =	vor.u32 $0x100, v6;
	v8 =	vld [tilespmem:s0+$0xFFFFFFF0];
	[tilespmem:s31+$0xFFFFFFA0] =	vst v12  }
.Ltmp3:
0xb2: {  	v13 =	vor.u32 $0x100, v3;
	v7 =	vld.idx.msk [tilespmem:v7+s17+$0x0], $0xffff;
	[tilespmem:s31+$0xFFFFFFC0] =	vst v5;
	(pc) =	sbr.rel @p0 .LBB2_5-.Ltmp3, $4  }
0xb3: {  	v11 =	vshll.u32 v9, $0x2;
	[tilespmem:s31+$0xFFFFFF90] =	vst v14;
	v5 =	vld.idx.msk [tilespmem:v10+s17+$0x0], $0xffff  }
0xb4: {  	v12 =	vshll.u32 v15, $0x2;
	v9 =	vand.u32 $0x7F, v9;
	v11 =	vand.u32 $0xFFFFFE00, v11;
	v4 =	vld.idx.msk [tilespmem:v4+s17+$0x0], $0xffff  }
0xb5: {  	v12 =	vand.u32 $0xFFFFFE00, v12;
	v14 =	vand.u32 $0x7F, v15;
	v10 =	vld [tilespmem:s0+$0xFFFFFFD0];
	v11 =	vor.u32 v9, v11;
	[tilespmem:s31+$0x30] =	vst v16  }
0xb6: {  	v9 =	vld.idx.msk [tilespmem:v2+s17+$0x0], $0xffff;
	v2 =	vor.u32 v14, v12;
	v12 =	vor.u32 $0x100, v11;
	[tilespmem:s31+$0x60] =	vst v17  }
0xb7: {  	_ = 	snop  }
0xb8: {  	v6 =	vor.u32 $0x180, v6;
	v3 =	vor.u32 $0x180, v3  }
0xb9: {  	v14 =	vor.u32 $0x100, v2;
	v15 =	vand.u32 $0x7F, v8;
	v8 =	vshll.u32 v8, $0x2  }
0xba: {  	v16 =	vand.u32 $0x7F, v1;
	v1 =	vshll.u32 v1, $0x2;
	v8 =	vand.u32 $0xFFFFFE00, v8  }
0xbb: {  	v13 =	vld.idx.msk [tilespmem:v13+s17+$0x0], $0xffff;
	v1 =	vand.u32 $0xFFFFFE00, v1;
	v8 =	vor.u32 v15, v8;
	v15 =	vshll.u32 v0, $0x2  }
0xbc: {  	v0 =	vand.u32 $0x7F, v0;
	v1 =	vor.u32 v16, v1;
	v17 =	vand.u32 $0x7F, v10  }
0xbd: {  	[tilespmem:s1+$0x20] =	vst v7;
	v10 =	vshll.u32 v10, $0x2;
	v18 =	vor.u32 $0x100, v8;
	v15 =	vand.u32 $0xFFFFFE00, v15  }
0xbe: {  	s0 =	sadd.s32 $0x100, s31;
	v7 =	vld.idx.msk [tilespmem:v12+s17+$0x0], $0xffff;
	[tilespmem:s1+$0x40] =	vst v5;
	v12 =	vor.u32 $0x100, v1;
	v10 =	vand.u32 $0xFFFFFE00, v10;
	v0 =	vor.u32 v0, v15  }
0xbf: {  	[tilespmem:s0+$0xFFFFFF80] =	vst v9;
	v9 =	vld.idx.msk [tilespmem:v14+s17+$0x0], $0xffff;
	v10 =	vor.u32 v17, v10;
	v14 =	vor.u32 $0x100, v0  }
0xc0: {  	v5 =	vld.idx.msk [tilespmem:v6+s17+$0x0], $0xffff;
	[tilespmem:s0+$0xFFFFFFD0] =	vst v13;
	v6 =	vor.u32 $0x100, v10  }
0xc1: {  	v11 =	vor.u32 $0x180, v11;
	v3 =	vld.idx.msk [tilespmem:v3+s17+$0x0], $0xffff  }
0xc2: {  	v2 =	vor.u32 $0x180, v2;
	[tilespmem:s1+$0x10] =	vst v4;
	v13 =	vld.idx.msk [tilespmem:v18+s17+$0x0], $0xffff  }
0xc3: {  	v4 =	vor.u32 $0x180, v8;
	[tilespmem:s0+$0xFFFFFFF0] =	vst v7;
	v7 =	vld.idx.msk [tilespmem:v12+s17+$0x0], $0xffff  }
0xc4: {  	v1 =	vor.u32 $0x180, v1;
	[tilespmem:s0+$0xFFFFFFE0] =	vst v9;
	v8 =	vld.idx.msk [tilespmem:v14+s17+$0x0], $0xffff  }
0xc5: {  	v0 =	vor.u32 $0x180, v0;
	[tilespmem:s0+$0x0] =	vst v5;
	v5 =	vld.idx.msk [tilespmem:v6+s17+$0x0], $0xffff  }
0xc6: {  	v9 =	vor.u32 $0x180, v10;
	v6 =	vld.idx.msk [tilespmem:v11+s17+$0x0], $0xffff;
	[tilespmem:s0+$0x50] =	vst v3  }
0xc7: {  	v2 =	vld.idx.msk [tilespmem:v2+s17+$0x0], $0xffff;
	[tilespmem:s0+$0xFFFFFFB0] =	vst v13  }
0xc8: {  	[tilespmem:s0+$0xFFFFFFA0] =	vst v7;
	v3 =	vld.idx.msk [tilespmem:v4+s17+$0x0], $0xffff  }
0xc9: {  	v1 =	vld.idx.msk [tilespmem:v1+s17+$0x0], $0xffff;
	[tilespmem:s0+$0xFFFFFFC0] =	vst v8  }
0xca: {  	[tilespmem:s0+$0xFFFFFF90] =	vst v5;
	v0 =	vld.idx.msk [tilespmem:v0+s17+$0x0], $0xffff  }
0xcb: {  	[tilespmem:s0+$0x70] =	vst v6;
	v4 =	vld.idx.msk [tilespmem:v9+s17+$0x0], $0xffff  }
0xcc: {  	[tilespmem:s0+$0x60] =	vst v2  }
0xcd: {  	[tilespmem:s0+$0x30] =	vst v3  }
0xce: {  	[tilespmem:s0+$0x20] =	vst v1  }
0xcf: {  	p0 =	seq.s32 s28, $0xF;
	[tilespmem:s0+$0x40] =	vst v0  }
0xd0: {  	s2 =	simm.s32 @!p0 $0x400;
	s1 =	sadd.s32 s30, s8;
	[tilespmem:s0+$0x10] =	vst v4  }
0xd1: {  	[hbm4b:s1+s20] =	stream.strided.scatter [tilespmem:s22], [sflag:$0x4], $0x4000, s16, s20, $0x38;
	[tilespmem:$0x1A000] =	vst v63  }
0xd2: {  	s31 =	simm.s32 @!p0 $0x2000;
	s0 =	sadd.s32 @!p0 s29, s9;
	s1 =	simm.s32 @!p0 $0x200  }
0xd3: {  	[tilespmem:s31], [sflag:$0x1] =	stream.strided.gather @!p0 [hbm4b:s0+s1], $0x8000, s2, s1, $0x38;
	[tilespmem:$0x1A000] =	vst v63  }
0xd4: {  	_ =	swait.ge [sflag:s23], $0x8000  }
0xd5: {  	[sflag:s23] =	ssyncset.done $0x0  }
0xd6: {  	[sflag:s23] =	ssyncadd.s32 $0xFFFF8000  }
0xd7: {  	_ =	swait.ge [sflag:s24], $0x4000  }
0xd8: {  	[sflag:s24] =	ssyncset.done $0x0  }
0xd9: {  	s2 =	simm.s32 $0x40;
	[sflag:s24] =	ssyncadd.s32 $0xFFFFC000  }
0xda: {  	v0 =	vld [tilespmem:s2+$0xFFFFFFC0]  }
0xdb: {  	v1 =	vld [tilespmem:s2+$0x30];
	_ =	sdelay $0x3  }
0xdc: {  	v4 =	vld [tilespmem:s2+$0x20];
	v2 =	vshll.u32 v0, $0x2  }
0xdd: {  	v5 =	vld [tilespmem:s2+$0xFFFFFFE0];
	v3 =	vshll.u32 v1, $0x2;
	v0 =	vand.u32 $0x7F, v0;
	v2 =	vand.u32 $0xFFFFFE00, v2  }
0xde: {  	v1 =	vand.u32 $0x7F, v1;
	v3 =	vand.u32 $0xFFFFFE00, v3;
	v0 =	vor.u32 v0, v2  }
0xdf: {  	v6 =	vld [tilespmem:s2+$0x0];
	v1 =	vor.u32 v1, v3  }
0xe0: {  	v3 =	vld [tilespmem:s2+$0x10]  }
0xe1: {  	v7 =	vshll.u32 v4, $0x2;
	v2 =	vld [tilespmem:s2+$0xFFFFFFF0]  }
0xe2: {  	v8 =	vld [tilespmem:s2+$0xFFFFFFD0];
	v4 =	vand.u32 $0x7F, v4;
	v14 =	vshll.u32 v5, $0x2;
	v7 =	vand.u32 $0xFFFFFE00, v7  }
0xe3: {  	v5 =	vand.u32 $0x7F, v5;
	v14 =	vand.u32 $0xFFFFFE00, v14;
	v4 =	vor.u32 v4, v7;
	v9 =	vld.idx.msk [tilespmem:v0+s18+$0x0], $0xffff  }
0xe4: {  	s31 =	simm.s32 $0xC0;
	v5 =	vor.u32 v5, v14;
	v10 =	vor.u32 $0x80, v0;
	v7 =	vld.idx.msk [tilespmem:v1+s18+$0x0], $0xffff  }
0xe5: {  	v15 =	vld [tilespmem:s31+$0x30];
	v12 =	vor.u32 $0x80, v1;
	v11 =	vshll.u32 v3, $0x2;
	v3 =	vand.u32 $0x7F, v3  }
0xe6: {  	v61 =	vld [tilespmem:s31+$0xFFFFFFC0];
	v13 =	vand.u32 $0x7F, v2;
	v2 =	vshll.u32 v2, $0x2;
	v11 =	vand.u32 $0xFFFFFE00, v11  }
0xe7: {  	s0 =	simm.s32 $0x12080;
	v63 =	vld [tilespmem:s31+$0x20];
	v2 =	vand.u32 $0xFFFFFE00, v2;
	v3 =	vor.u32 v3, v11;
	v11 =	vshll.u32 v6, $0x2  }
0xe8: {  	v6 =	vand.u32 $0x7F, v6;
	v13 =	vor.u32 v13, v2;
	v2 =	vand.u32 $0xFFFFFE00, v11;
	[tilespmem:s0+$0xFFFFFF80] =	vst v9;
	v9 =	vld.idx.msk [tilespmem:v4+s18+$0x0], $0xffff  }
0xe9: {  	v6 =	vor.u32 v6, v2;
	[tilespmem:s0+$0xFFFFFFF0] =	vst v7;
	v7 =	vshll.u32 v8, $0x2;
	v10 =	vld.idx.msk [tilespmem:v10+s18+$0x0], $0xffff  }
0xea: {  	v4 =	vor.u32 $0x80, v4;
	v8 =	vand.u32 $0x7F, v8;
	v11 =	vld.idx.msk [tilespmem:v12+s18+$0x0], $0xffff;
	v7 =	vand.u32 $0xFFFFFE00, v7  }
0xeb: {  	v12 =	vld.idx.msk [tilespmem:v5+s18+$0x0], $0xffff;
	v7 =	vor.u32 v8, v7  }
0xec: {  	v8 =	vld.idx.msk [tilespmem:v3+s18+$0x0], $0xffff  }
0xed: {  	v14 =	vld.idx.msk [tilespmem:v13+s18+$0x0], $0xffff;
	v3 =	vor.u32 $0x80, v3  }
0xee: {  	v5 =	vor.u32 $0x80, v5;
	v62 =	vld.idx.msk [tilespmem:v6+s18+$0x0], $0xffff;
	[tilespmem:s0+$0xFFFFFFE0] =	vst v9  }
0xef: {  	v9 =	vor.u32 $0x80, v13;
	v13 =	vld.idx.msk [tilespmem:v4+s18+$0x0], $0xffff  }
0xf0: {  	v6 =	vor.u32 $0x80, v6;
	[tilespmem:s0+$0x0] =	vst v10;
	v4 =	vld.idx.msk [tilespmem:v7+s18+$0x0], $0xffff  }
0xf1: {  	v0 =	vld [tilespmem:s31+$0xFFFFFFE0];
	[tilespmem:s0+$0xFFFFFFD0] =	vst v8  }
0xf2: {  	[tilespmem:s0+$0xFFFFFFA0] =	vst v12;
	v19 =	vld.idx.msk [tilespmem:v3+s18+$0x0], $0xffff  }
0xf3: {  	[tilespmem:s0+$0x70] =	vst v11;
	v10 =	vshll.u32 v61, $0x2;
	v3 =	vld.idx.msk [tilespmem:v5+s18+$0x0], $0xffff;
	v5 =	vshll.u32 v15, $0x2  }
0xf4: {  	v2 =	vld [tilespmem:s31+$0x10];
	v11 =	vand.u32 $0x7F, v15;
	v7 =	vor.u32 $0x80, v7;
	[tilespmem:s0+$0xFFFFFFC0] =	vst v62;
	v5 =	vand.u32 $0xFFFFFE00, v5  }
0xf5: {  	v10 =	vand.u32 $0xFFFFFE00, v10;
	[tilespmem:s0+$0xFFFFFF90] =	vst v4;
	v4 =	vld.idx.msk [tilespmem:v6+s18+$0x0], $0xffff;
	v6 =	vor.u32 v11, v5;
	v11 =	vand.u32 $0x7F, v61  }
0xf6: {  	[tilespmem:s0+$0xFFFFFFB0] =	vst v14;
	v8 =	vld [tilespmem:s31+$0x0];
	v10 =	vor.u32 v11, v10  }
0xf7: {  	v9 =	vld.idx.msk [tilespmem:v9+s18+$0x0], $0xffff  }
0xf8: {  	v1 =	vld [tilespmem:s31+$0xFFFFFFF0]  }
0xf9: {  	v12 =	vshll.u32 v63, $0x2;
	[tilespmem:s0+$0x60] =	vst v13;
	v5 =	vld.idx.msk [tilespmem:v7+s18+$0x0], $0xffff  }
0xfa: {  	s1 =	simm.s32 $0x12080;
	s2 =	simm.s32 $0x8;
	v11 =	vand.u32 $0xFFFFFE00, v12;
	v7 =	vld [tilespmem:s31+$0xFFFFFFD0];
	v12 =	vand.u32 $0x7F, v63;
	[tilespmem:s0+$0x50] =	vst v19  }
.LBB2_7:
0xfb: {  	s2 =	sadd.s32 $0x8, s2;
	v13 =	vld.idx.msk [tilespmem:v10+s18+$0x0], $0xffff;
	v10 =	vor.u32 $0x80, v10;
	v14 =	vshll.u32 v2, $0x2;
	v15 =	vor.u32 $0x80, v6;
	s0 =	sadd.s32 $0x100, s0  }
0xfc: {  	v2 =	vand.u32 $0x7F, v2;
	v11 =	vor.u32 v12, v11;
	s31 =	sadd.s32 $0x80, s31;
	p1 =	slt.u32 s2, $0x1F8;
	v16 =	vand.u32 $0x7F, v8;
	v6 =	vld.idx.msk [tilespmem:v6+s18+$0x0], $0xffff;
	[tilespmem:s1+$0x30] =	vst v9  }
0xfd: {  	v12 =	vand.u32 $0x7F, v1;
	v17 =	vshll.u32 v1, $0x2;
	v18 =	vor.u32 $0x80, v11;
	v9 =	vld [tilespmem:s31+$0xFFFFFFE0];
	[tilespmem:s1+$0x20] =	vst v3  }
0xfe: {  	v17 =	vand.u32 $0xFFFFFE00, v17;
	v8 =	vshll.u32 v8, $0x2;
	v3 =	vshll.u32 v0, $0x2;
	v1 =	vld [tilespmem:s31+$0xFFFFFFF0];
	[tilespmem:s1+$0x40] =	vst v4  }
0xff: {  	v14 =	vand.u32 $0xFFFFFE00, v14;
	v3 =	vand.u32 $0xFFFFFE00, v3;
	v4 =	vld [tilespmem:s31+$0x30];
	v19 =	vand.u32 $0x7F, v7;
	[tilespmem:s1+$0x10] =	vst v5;
	s1 =	smov.u32 s0  }
0x100: {  	v20 =	vand.u32 $0x7F, v0;
	v12 =	vor.u32 v12, v17;
	v14 =	vor.u32 v2, v14;
	v5 =	vld [tilespmem:s31+$0xFFFFFFC0]  }
0x101: {  	v2 =	vshll.u32 v7, $0x2;
	v3 =	vor.u32 v20, v3;
	[tilespmem:s0+$0xFFFFFF80] =	vst v13;
	v13 =	vand.u32 $0xFFFFFE00, v8;
	v7 =	vld.idx.msk [tilespmem:v11+s18+$0x0], $0xffff  }
0x102: {  	v2 =	vand.u32 $0xFFFFFE00, v2;
	v8 =	vld.idx.msk [tilespmem:v10+s18+$0x0], $0xffff;
	v10 =	vor.u32 v16, v13;
	[tilespmem:s0+$0xFFFFFFF0] =	vst v6;
	v0 =	vmov v9  }
0x103: {  	v9 =	vor.u32 v19, v2;
	v11 =	vld.idx.msk [tilespmem:v15+s18+$0x0], $0xffff  }
0x104: {  	v2 =	vld [tilespmem:s31+$0x10];
	v6 =	vand.u32 $0x7F, v4;
	v4 =	vshll.u32 v4, $0x2  }
0x105: {  	v13 =	vshll.u32 v5, $0x2;
	v4 =	vand.u32 $0xFFFFFE00, v4;
	v15 =	vld.idx.msk [tilespmem:v14+s18+$0x0], $0xffff  }
0x106: {  	v13 =	vand.u32 $0xFFFFFE00, v13;
	v6 =	vor.u32 v6, v4;
	v4 =	vld.idx.msk [tilespmem:v3+s18+$0x0], $0xffff  }
0x107: {  	v14 =	vor.u32 $0x80, v14;
	v16 =	vld.idx.msk [tilespmem:v12+s18+$0x0], $0xffff;
	[tilespmem:s0+$0xFFFFFFE0] =	vst v7  }
0x108: {  	v3 =	vor.u32 $0x80, v3;
	[tilespmem:s0+$0x0] =	vst v8;
	v7 =	vld.idx.msk [tilespmem:v10+s18+$0x0], $0xffff  }
0x109: {  	v8 =	vor.u32 $0x80, v12;
	v12 =	vld.idx.msk [tilespmem:v18+s18+$0x0], $0xffff;
	[tilespmem:s0+$0x70] =	vst v11  }
0x10a: {  	v11 =	vld.idx.msk [tilespmem:v9+s18+$0x0], $0xffff  }
0x10b: {  	v19 =	vor.u32 $0x80, v10;
	v18 =	vor.u32 $0x80, v9;
	v17 =	vld [tilespmem:s31+$0x20];
	[tilespmem:s0+$0xFFFFFFD0] =	vst v15  }
0x10c: {  	[tilespmem:s0+$0xFFFFFFA0] =	vst v4;
	v14 =	vld.idx.msk [tilespmem:v14+s18+$0x0], $0xffff  }
0x10d: {  	v4 =	vand.u32 $0x7F, v5;
	v3 =	vld.idx.msk [tilespmem:v3+s18+$0x0], $0xffff;
	[tilespmem:s0+$0xFFFFFFB0] =	vst v16  }
.Ltmp4:
0x10e: {  	v10 =	vor.u32 v4, v13;
	v9 =	vld.idx.msk [tilespmem:v8+s18+$0x0], $0xffff;
	[tilespmem:s0+$0xFFFFFFC0] =	vst v7;
	(pc) =	sbr.rel @p1 .LBB2_7-.Ltmp4, $4  }
0x10f: {  	v8 =	vld [tilespmem:s31+$0x0];
	[tilespmem:s0+$0x60] =	vst v12  }
0x110: {  	v5 =	vshll.u32 v17, $0x2;
	[tilespmem:s0+$0xFFFFFF90] =	vst v11;
	v4 =	vld.idx.msk [tilespmem:v19+s18+$0x0], $0xffff  }
0x111: {  	v11 =	vand.u32 $0xFFFFFE00, v5;
	v5 =	vld.idx.msk [tilespmem:v18+s18+$0x0], $0xffff  }
0x112: {  	v12 =	vand.u32 $0x7F, v17;
	v7 =	vld [tilespmem:s31+$0xFFFFFFD0];
	[tilespmem:s0+$0x50] =	vst v14  }
0x113: {  	_ =	sdelay $0x2  }
0x114: {  	v13 =	vor.u32 $0x80, v10  }
0x115: {  	v10 =	vld.idx.msk [tilespmem:v10+s18+$0x0], $0xffff;
	v14 =	vshll.u32 v2, $0x2;
	v15 =	vor.u32 $0x80, v6;
	v11 =	vor.u32 v12, v11  }
0x116: {  	v2 =	vand.u32 $0x7F, v2;
	v6 =	vld.idx.msk [tilespmem:v6+s18+$0x0], $0xffff;
	v16 =	vand.u32 $0x7F, v1;
	v1 =	vshll.u32 v1, $0x2  }
0x117: {  	v17 =	vshll.u32 v0, $0x2;
	v0 =	vand.u32 $0x7F, v0;
	v14 =	vand.u32 $0xFFFFFE00, v14  }
0x118: {  	v12 =	vand.u32 $0x7F, v8;
	v1 =	vand.u32 $0xFFFFFE00, v1;
	v2 =	vor.u32 v2, v14  }
0x119: {  	s0 =	sadd.s32 $0x100, s0;
	[tilespmem:s1+$0x30] =	vst v9;
	v8 =	vshll.u32 v8, $0x2;
	v9 =	vand.u32 $0xFFFFFE00, v17;
	v1 =	vor.u32 v16, v1  }
0x11a: {  	v0 =	vor.u32 v0, v9;
	v8 =	vand.u32 $0xFFFFFE00, v8;
	[tilespmem:s0+$0xFFFFFF80] =	vst v10;
	v10 =	vshll.u32 v7, $0x2;
	v9 =	vld.idx.msk [tilespmem:v11+s18+$0x0], $0xffff  }
0x11b: {  	v8 =	vor.u32 v12, v8;
	v7 =	vand.u32 $0x7F, v7;
	[tilespmem:s0+$0xFFFFFFF0] =	vst v6;
	v13 =	vld.idx.msk [tilespmem:v13+s18+$0x0], $0xffff;
	v10 =	vand.u32 $0xFFFFFE00, v10  }
0x11c: {  	[tilespmem:s1+$0x20] =	vst v3;
	v6 =	vld.idx.msk [tilespmem:v15+s18+$0x0], $0xffff;
	v3 =	vor.u32 v7, v10  }
0x11d: {  	[tilespmem:s1+$0x40] =	vst v4;
	v7 =	vor.u32 $0x80, v11;
	v4 =	vld.idx.msk [tilespmem:v2+s18+$0x0], $0xffff  }
0x11e: {  	[tilespmem:s1+$0x10] =	vst v5;
	v5 =	vld.idx.msk [tilespmem:v1+s18+$0x0], $0xffff;
	v2 =	vor.u32 $0x80, v2  }
0x11f: {  	v10 =	vld.idx.msk [tilespmem:v0+s18+$0x0], $0xffff;
	v1 =	vor.u32 $0x80, v1;
	[tilespmem:s0+$0xFFFFFFE0] =	vst v9  }
0x120: {  	v0 =	vor.u32 $0x80, v0;
	v9 =	vld.idx.msk [tilespmem:v8+s18+$0x0], $0xffff;
	[tilespmem:s0+$0x0] =	vst v13  }
0x121: {  	v8 =	vor.u32 $0x80, v8;
	[tilespmem:s0+$0x70] =	vst v6;
	v6 =	vld.idx.msk [tilespmem:v3+s18+$0x0], $0xffff  }
0x122: {  	v7 =	vld.idx.msk [tilespmem:v7+s18+$0x0], $0xffff;
	v3 =	vor.u32 $0x80, v3;
	[tilespmem:s0+$0xFFFFFFD0] =	vst v4  }
0x123: {  	[tilespmem:s0+$0xFFFFFFB0] =	vst v5;
	v2 =	vld.idx.msk [tilespmem:v2+s18+$0x0], $0xffff  }
0x124: {  	[tilespmem:s0+$0xFFFFFFA0] =	vst v10;
	v1 =	vld.idx.msk [tilespmem:v1+s18+$0x0], $0xffff  }
0x125: {  	v0 =	vld.idx.msk [tilespmem:v0+s18+$0x0], $0xffff;
	[tilespmem:s0+$0xFFFFFFC0] =	vst v9  }
0x126: {  	v4 =	vld.idx.msk [tilespmem:v8+s18+$0x0], $0xffff;
	[tilespmem:s0+$0xFFFFFF90] =	vst v6  }
0x127: {  	[tilespmem:s0+$0x60] =	vst v7;
	v3 =	vld.idx.msk [tilespmem:v3+s18+$0x0], $0xffff  }
0x128: {  	[tilespmem:s0+$0x50] =	vst v2  }
0x129: {  	[tilespmem:s0+$0x30] =	vst v1  }
0x12a: {  	[tilespmem:s0+$0x20] =	vst v0  }
0x12b: {  	[tilespmem:s0+$0x40] =	vst v4  }
0x12c: {  	s1 =	sadd.s32 s30, s10;
	[tilespmem:s0+$0x10] =	vst v3  }
0x12d: {  	[hbm4b:s1+s20] =	stream.strided.scatter [tilespmem:s21], [sflag:$0x3], $0x4000, s16, s20, $0x38;
	[tilespmem:$0x1A000] =	vst v63  }
0x12e: {  	_ =	swait.ge [sflag:s25], $0x4000  }
0x12f: {  	[sflag:s25] =	ssyncset.done $0x0  }
0x130: {  	s2 =	simm.s32 $0x40;
	[sflag:s25] =	ssyncadd.s32 $0xFFFFC000  }
0x131: {  	v0 =	vld [tilespmem:s2+$0xFFFFFFC0]  }
0x132: {  	v1 =	vld [tilespmem:s2+$0x10];
	_ =	sdelay $0x2  }
0x133: {  	v3 =	vld [tilespmem:s2+$0x30]  }
0x134: {  	v5 =	vld [tilespmem:s2+$0x20];
	v2 =	vshll.u32 v0, $0x2  }
0x135: {  	v4 =	vshll.u32 v1, $0x2;
	v0 =	vand.u32 $0x7F, v0;
	v2 =	vand.u32 $0xFFFFFE00, v2  }
0x136: {  	v7 =	vld [tilespmem:s2+$0xFFFFFFF0];
	v1 =	vand.u32 $0x7F, v1;
	v4 =	vand.u32 $0xFFFFFE00, v4;
	v0 =	vor.u32 v0, v2  }
0x137: {  	v9 =	vld [tilespmem:s2+$0xFFFFFFE0];
	v1 =	vor.u32 v1, v4;
	v2 =	vor.u32 $0x100, v0  }
0x138: {  	v8 =	vshll.u32 v3, $0x2;
	v6 =	vor.u32 $0x100, v1  }
0x139: {  	v10 =	vshll.u32 v5, $0x2;
	v3 =	vand.u32 $0x7F, v3;
	v8 =	vand.u32 $0xFFFFFE00, v8  }
0x13a: {  	v11 =	vld [tilespmem:s2+$0xFFFFFFD0];
	v5 =	vand.u32 $0x7F, v5;
	v10 =	vand.u32 $0xFFFFFE00, v10;
	v3 =	vor.u32 v3, v8  }
0x13b: {  	v13 =	vshll.u32 v7, $0x2;
	v4 =	vld [tilespmem:s2+$0x0];
	v5 =	vor.u32 v5, v10;
	v8 =	vor.u32 $0x100, v3  }
0x13c: {  	v15 =	vand.u32 $0x7F, v9;
	v13 =	vand.u32 $0xFFFFFE00, v13;
	v10 =	vor.u32 $0x100, v5;
	v2 =	vld.idx.msk [tilespmem:v2+s18+$0x0], $0xffff  }
0x13d: {  	v12 =	vor.u32 $0x180, v0;
	v14 =	vor.u32 $0x180, v1;
	v1 =	vand.u32 $0x7F, v7;
	v6 =	vld.idx.msk [tilespmem:v6+s18+$0x0], $0xffff  }
0x13e: {  	s0 =	simm.s32 $0xC0;
	v3 =	vor.u32 $0x180, v3;
	v13 =	vor.u32 v1, v13;
	v1 =	vshll.u32 v9, $0x2  }
0x13f: {  	v60 =	vld [tilespmem:s0+$0x10];
	v9 =	vand.u32 $0x7F, v11;
	v11 =	vshll.u32 v11, $0x2;
	v61 =	vor.u32 $0x100, v13  }
0x140: {  	s31 =	simm.s32 $0x16080;
	v19 =	vand.u32 $0xFFFFFE00, v1;
	v11 =	vand.u32 $0xFFFFFE00, v11;
	v18 =	vshll.u32 v4, $0x2;
	v8 =	vld.idx.msk [tilespmem:v8+s18+$0x0], $0xffff  }
0x141: {  	v15 =	vor.u32 v15, v19;
	v4 =	vand.u32 $0x7F, v4;
	v10 =	vld.idx.msk [tilespmem:v10+s18+$0x0], $0xffff;
	[tilespmem:s31+$0xFFFFFF80] =	vst v2;
	v2 =	vand.u32 $0xFFFFFE00, v18  }
0x142: {  	v9 =	vor.u32 v9, v11;
	[tilespmem:s31+$0xFFFFFFD0] =	vst v6;
	v6 =	vor.u32 $0x100, v15;
	v2 =	vor.u32 v4, v2;
	v4 =	vld.idx.msk [tilespmem:v12+s18+$0x0], $0xffff  }
0x143: {  	v12 =	vld.idx.msk [tilespmem:v14+s18+$0x0], $0xffff;
	v14 =	vor.u32 $0x100, v9  }
0x144: {  	v7 =	vld [tilespmem:s0+$0xFFFFFFC0]  }
0x145: {  	v17 =	vld.idx.msk [tilespmem:v61+s18+$0x0], $0xffff;
	[tilespmem:s31+$0xFFFFFFF0] =	vst v8;
	v11 =	vor.u32 $0x100, v2  }
0x146: {  	v8 =	vor.u32 $0x180, v13;
	v13 =	vld.idx.msk [tilespmem:v3+s18+$0x0], $0xffff  }
0x147: {  	v5 =	vor.u32 $0x180, v5;
	v3 =	vld.idx.msk [tilespmem:v6+s18+$0x0], $0xffff  }
0x148: {  	[tilespmem:s31+$0xFFFFFFE0] =	vst v10;
	v10 =	vld.idx.msk [tilespmem:v14+s18+$0x0], $0xffff  }
0x149: {  	v14 =	vor.u32 $0x180, v15;
	v15 =	vld [tilespmem:s0+$0x30]  }
0x14a: {  	v11 =	vld.idx.msk [tilespmem:v11+s18+$0x0], $0xffff  }
0x14b: {  	v62 =	vld [tilespmem:s0+$0x20];
	[tilespmem:s31+$0xFFFFFFB0] =	vst v17  }
0x14c: {  	v63 =	vld.idx.msk [tilespmem:v5+s18+$0x0], $0xffff;
	v5 =	vshll.u32 v60, $0x2;
	v6 =	vshll.u32 v7, $0x2;
	[tilespmem:s31+$0x0] =	vst v4  }
0x14d: {  	v0 =	vld [tilespmem:s0+$0x0];
	v2 =	vor.u32 $0x180, v2;
	v7 =	vand.u32 $0x7F, v7;
	v6 =	vand.u32 $0xFFFFFE00, v6;
	[tilespmem:s31+$0x50] =	vst v12  }
0x14e: {  	v1 =	vld [tilespmem:s0+$0xFFFFFFE0];
	v5 =	vand.u32 $0xFFFFFE00, v5;
	v4 =	vor.u32 $0x180, v9;
	v6 =	vor.u32 v7, v6;
	[tilespmem:s31+$0xFFFFFFA0] =	vst v3  }
0x14f: {  	v9 =	vld.idx.msk [tilespmem:v8+s18+$0x0], $0xffff;
	v12 =	vor.u32 $0x100, v6;
	v3 =	vand.u32 $0x7F, v60;
	[tilespmem:s31+$0xFFFFFFC0] =	vst v11;
	v11 =	vshll.u32 v15, $0x2  }
0x150: {  	v8 =	vld [tilespmem:s0+$0xFFFFFFF0];
	[tilespmem:s31+$0x70] =	vst v13;
	v3 =	vor.u32 v3, v5;
	v13 =	vand.u32 $0x7F, v15;
	v11 =	vand.u32 $0xFFFFFE00, v11  }
0x151: {  	v7 =	vld.idx.msk [tilespmem:v14+s18+$0x0], $0xffff;
	v11 =	vor.u32 v13, v11;
	v13 =	vor.u32 $0x100, v3  }
0x152: {  	[tilespmem:s31+$0xFFFFFF90] =	vst v10;
	v10 =	vld [tilespmem:s0+$0xFFFFFFD0]  }
0x153: {  	v5 =	vld.idx.msk [tilespmem:v2+s18+$0x0], $0xffff;
	v2 =	vshll.u32 v62, $0x2  }
0x154: {  	[tilespmem:s31+$0x60] =	vst v63;
	v14 =	vand.u32 $0x7F, v62;
	v4 =	vld.idx.msk [tilespmem:v4+s18+$0x0], $0xffff;
	v2 =	vand.u32 $0xFFFFFE00, v2  }
0x155: {  	s1 =	simm.s32 $0x16080;
	s2 =	simm.s32 $0x8;
	[tilespmem:s31+$0x30] =	vst v9;
	v9 =	vld.idx.msk [tilespmem:v12+s18+$0x0], $0xffff;
	v2 =	vor.u32 v14, v2;
	v12 =	vor.u32 $0x100, v11  }
.LBB2_9:
0x156: {  	s2 =	sadd.s32 $0x8, s2;
	v6 =	vor.u32 $0x180, v6;
	v13 =	vld.idx.msk [tilespmem:v13+s18+$0x0], $0xffff;
	v3 =	vor.u32 $0x180, v3;
	v14 =	vor.u32 $0x100, v2;
	s0 =	sadd.s32 $0x80, s0;
	s31 =	sadd.s32 $0x100, s31  }
0x157: {  	v16 =	vand.u32 $0x7F, v8;
	v8 =	vshll.u32 v8, $0x2;
	v11 =	vor.u32 $0x180, v11;
	v15 =	vld [tilespmem:s0+$0x0];
	p1 =	slt.u32 s2, $0x1F8;
	[tilespmem:s1+$0x20] =	vst v7  }
0x158: {  	v17 =	vand.u32 $0x7F, v1;
	v1 =	vshll.u32 v1, $0x2;
	v8 =	vand.u32 $0xFFFFFE00, v8;
	v7 =	vld [tilespmem:s0+$0xFFFFFFC0];
	[tilespmem:s1+$0x40] =	vst v5  }
0x159: {  	v8 =	vor.u32 v16, v8;
	v16 =	vshll.u32 v0, $0x2;
	v5 =	vld [tilespmem:s0+$0x10];
	v18 =	vand.u32 $0x7F, v10;
	[tilespmem:s1+$0x10] =	vst v4;
	s1 =	smov.u32 s31  }
0x15a: {  	v0 =	vand.u32 $0x7F, v0;
	v4 =	vshll.u32 v10, $0x2;
	v10 =	vor.u32 $0x100, v8;
	v12 =	vld.idx.msk [tilespmem:v12+s18+$0x0], $0xffff  }
0x15b: {  	v16 =	vand.u32 $0xFFFFFE00, v16;
	v4 =	vand.u32 $0xFFFFFE00, v4;
	[tilespmem:s31+$0xFFFFFF80] =	vst v9;
	v9 =	vand.u32 $0xFFFFFE00, v1;
	v14 =	vld.idx.msk [tilespmem:v14+s18+$0x0], $0xffff  }
0x15c: {  	v16 =	vor.u32 v0, v16;
	v4 =	vor.u32 v18, v4;
	v1 =	vld [tilespmem:s0+$0xFFFFFFE0];
	v9 =	vor.u32 v17, v9;
	[tilespmem:s31+$0xFFFFFFD0] =	vst v13  }
0x15d: {  	v18 =	vor.u32 $0x100, v16;
	v17 =	vor.u32 $0x100, v4;
	v0 =	vmovc v15;
	v13 =	vld.idx.msk [tilespmem:v6+s18+$0x0], $0xffff;
	v6 =	vor.u32 $0x100, v9  }
0x15e: {  	v15 =	vshll.u32 v5, $0x2;
	v19 =	vld.idx.msk [tilespmem:v3+s18+$0x0], $0xffff  }
0x15f: {  	v3 =	vand.u32 $0x7F, v5;
	v5 =	vand.u32 $0xFFFFFE00, v15;
	v10 =	vld.idx.msk [tilespmem:v10+s18+$0x0], $0xffff  }
0x160: {  	v3 =	vor.u32 v3, v5;
	v15 =	vld [tilespmem:s0+$0x20];
	[tilespmem:s31+$0xFFFFFFF0] =	vst v12  }
0x161: {  	v8 =	vor.u32 $0x180, v8;
	v5 =	vshll.u32 v7, $0x2;
	[tilespmem:s31+$0xFFFFFFE0] =	vst v14;
	v11 =	vld.idx.msk [tilespmem:v11+s18+$0x0], $0xffff  }
0x162: {  	v2 =	vor.u32 $0x180, v2;
	v7 =	vand.u32 $0x7F, v7;
	v5 =	vand.u32 $0xFFFFFE00, v5;
	v12 =	vld.idx.msk [tilespmem:v6+s18+$0x0], $0xffff  }
0x163: {  	v6 =	vor.u32 v7, v5;
	[tilespmem:s31+$0x0] =	vst v13;
	v5 =	vld.idx.msk [tilespmem:v18+s18+$0x0], $0xffff  }
0x164: {  	v7 =	vor.u32 $0x180, v9;
	v14 =	vld.idx.msk [tilespmem:v17+s18+$0x0], $0xffff;
	[tilespmem:s31+$0x50] =	vst v19  }
0x165: {  	v4 =	vor.u32 $0x180, v4;
	v9 =	vld [tilespmem:s0+$0x30];
	[tilespmem:s31+$0xFFFFFFB0] =	vst v10;
	v10 =	vor.u32 $0x180, v16  }
0x166: {  	v16 =	vld.idx.msk [tilespmem:v8+s18+$0x0], $0xffff  }
0x167: {  	v17 =	vld.idx.msk [tilespmem:v2+s18+$0x0], $0xffff;
	[tilespmem:s31+$0x70] =	vst v11  }
0x168: {  	v2 =	vor.u32 $0x100, v6;
	v8 =	vld [tilespmem:s0+$0xFFFFFFF0];
	[tilespmem:s31+$0xFFFFFFA0] =	vst v12  }
.Ltmp5:
0x169: {  	v13 =	vor.u32 $0x100, v3;
	v7 =	vld.idx.msk [tilespmem:v7+s18+$0x0], $0xffff;
	[tilespmem:s31+$0xFFFFFFC0] =	vst v5;
	(pc) =	sbr.rel @p1 .LBB2_9-.Ltmp5, $4  }
0x16a: {  	v11 =	vshll.u32 v9, $0x2;
	[tilespmem:s31+$0xFFFFFF90] =	vst v14;
	v5 =	vld.idx.msk [tilespmem:v10+s18+$0x0], $0xffff  }
0x16b: {  	v12 =	vshll.u32 v15, $0x2;
	v9 =	vand.u32 $0x7F, v9;
	v11 =	vand.u32 $0xFFFFFE00, v11;
	v4 =	vld.idx.msk [tilespmem:v4+s18+$0x0], $0xffff  }
0x16c: {  	v12 =	vand.u32 $0xFFFFFE00, v12;
	v14 =	vand.u32 $0x7F, v15;
	v10 =	vld [tilespmem:s0+$0xFFFFFFD0];
	v11 =	vor.u32 v9, v11;
	[tilespmem:s31+$0x30] =	vst v16  }
0x16d: {  	v9 =	vld.idx.msk [tilespmem:v2+s18+$0x0], $0xffff;
	v2 =	vor.u32 v14, v12;
	v12 =	vor.u32 $0x100, v11;
	[tilespmem:s31+$0x60] =	vst v17  }
0x16e: {  	_ = 	snop  }
0x16f: {  	v6 =	vor.u32 $0x180, v6;
	v3 =	vor.u32 $0x180, v3  }
0x170: {  	v14 =	vor.u32 $0x100, v2;
	v15 =	vand.u32 $0x7F, v8;
	v42 =	vshll.u32 v8, $0x2  }
0x171: {  	v16 =	vand.u32 $0x7F, v1;
	v43 =	vshll.u32 v1, $0x2;
	v44 =	vshll.u32 v0, $0x2  }
0x172: {  	v13 =	vld.idx.msk [tilespmem:v13+s18+$0x0], $0xffff;
	v47 =	vand.u32 $0x7F, v0;
	v8 =	vand.u32 $0xFFFFFE00, v42;
	v1 =	vand.u32 $0xFFFFFE00, v43  }
0x173: {  	v8 =	vor.u32 v15, v8;
	v1 =	vor.u32 v16, v1;
	v15 =	vand.u32 $0xFFFFFE00, v44  }
0x174: {  	v17 =	vand.u32 $0x7F, v10;
	v45 =	vor.u32 $0x100, v8;
	v46 =	vshll.u32 v10, $0x2  }
0x175: {  	[tilespmem:s1+$0x20] =	vst v7;
	s0 =	sadd.s32 $0x100, s31;
	v48 =	vld.idx.msk [tilespmem:v12+s18+$0x0], $0xffff;
	v0 =	vor.u32 v47, v15;
	v49 =	vor.u32 $0x100, v1;
	v10 =	vand.u32 $0xFFFFFE00, v46  }
0x176: {  	[tilespmem:s0+$0xFFFFFF80] =	vst v9;
	v51 =	vor.u32 $0x100, v0;
	v50 =	vld.idx.msk [tilespmem:v14+s18+$0x0], $0xffff;
	v10 =	vor.u32 v17, v10  }
0x177: {  	v52 =	vld.idx.msk [tilespmem:v6+s18+$0x0], $0xffff;
	[tilespmem:s0+$0xFFFFFFD0] =	vst v13;
	v53 =	vor.u32 $0x100, v10  }
0x178: {  	v11 =	vor.u32 $0x180, v11;
	[tilespmem:s1+$0x40] =	vst v5;
	v3 =	vld.idx.msk [tilespmem:v3+s18+$0x0], $0xffff  }
0x179: {  	v57 =	vor.u32 $0x180, v2;
	[tilespmem:s1+$0x10] =	vst v4;
	v54 =	vld.idx.msk [tilespmem:v45+s18+$0x0], $0xffff  }
0x17a: {  	v55 =	vor.u32 $0x180, v8;
	[tilespmem:s0+$0xFFFFFFF0] =	vst v48;
	v56 =	vld.idx.msk [tilespmem:v49+s18+$0x0], $0xffff  }
0x17b: {  	v1 =	vor.u32 $0x180, v1;
	v58 =	vld.idx.msk [tilespmem:v51+s18+$0x0], $0xffff;
	[tilespmem:s0+$0xFFFFFFE0] =	vst v50  }
0x17c: {  	v0 =	vor.u32 $0x180, v0;
	[tilespmem:s0+$0x0] =	vst v52;
	v59 =	vld.idx.msk [tilespmem:v53+s18+$0x0], $0xffff  }
0x17d: {  	v60 =	vld.idx.msk [tilespmem:v11+s18+$0x0], $0xffff;
	v61 =	vor.u32 $0x180, v10;
	[tilespmem:s0+$0x50] =	vst v3  }
0x17e: {  	v2 =	vld.idx.msk [tilespmem:v57+s18+$0x0], $0xffff;
	[tilespmem:s0+$0xFFFFFFB0] =	vst v54  }
0x17f: {  	[tilespmem:s0+$0xFFFFFFA0] =	vst v56;
	v62 =	vld.idx.msk [tilespmem:v55+s18+$0x0], $0xffff  }
0x180: {  	v1 =	vld.idx.msk [tilespmem:v1+s18+$0x0], $0xffff;
	[tilespmem:s0+$0xFFFFFFC0] =	vst v58  }
0x181: {  	v0 =	vld.idx.msk [tilespmem:v0+s18+$0x0], $0xffff;
	[tilespmem:s0+$0xFFFFFF90] =	vst v59  }
0x182: {  	[tilespmem:s0+$0x70] =	vst v60;
	v63 =	vld.idx.msk [tilespmem:v61+s18+$0x0], $0xffff  }
0x183: {  	[tilespmem:s0+$0x60] =	vst v2  }
.Ltmp6:
0x184: {  	[tilespmem:s0+$0x30] =	vst v62;
	(pc) =	sbr.rel @p0 .LBB2_12-.Ltmp6, $4  }
0x185: {  	[tilespmem:s0+$0x20] =	vst v1  }
0x186: {  	[tilespmem:s0+$0x40] =	vst v0  }
0x187: {  	s31 =	sadd.s32 s30, s11;
	[tilespmem:s0+$0x10] =	vst v63  }
0x188: {  	[hbm4b:s31+s20] =	stream.strided.scatter [tilespmem:s22], [sflag:$0x4], $0x4000, s16, s20, $0x38;
	[tilespmem:$0x1A000] =	vst v63  }
.Ltmp7:
0x189: {  	(pc) =	sbr.rel .LBB2_2-.Ltmp7, $3  }
0x18a: {  	_ =	sdelay $0x1  }
0x18b: {  	s0 =	sadd.s32 s29, s12;
	s28 =	sadd.s32 $0x1, s28  }
0x18c: {  	[tilespmem:s18], [sflag:$0x2] =	stream.strided.gather [hbm4b:s0+s15], $0x8000, s16, s15, $0x38;
	[tilespmem:$0x1A000] =	vst v63  }
.LBB2_13:
0x18d: {  	_ =	sfence.sel $0x180000  }
0x18e: {  	[bflag:$0x0] =	sbarrier.arrive $0xFFFF  }
0x18f: {  	_ =	strace $0x90000047  }
0x190: {  	s0 =	stileid.u32;
	[bflag:$0x2] =	sbarrier.arrive $0xFFFF  }
0x191: {  	p0 =	sne.s32 s0, $0x0;
	s0 =	rddreg [dreg:$0x3]  }
0x192: {  	s0 =	sadd.s32 @!p0 $0x100000, s0  }
0x193: {  	[sflag:s0] =	ssyncadd.tile.s32 @!p0 $0x1;
	_ =	shalt  }
.Lfunc_end2:
_tile_overlayer_lowered:
.L_overlay_start_2:
0x194: {  	(tag) =	ssettag $0x2  }
0x195: {  	s0 =	rddreg [dreg:$0x0];
	s2 =	stileid.u32  }
0x196: {  	s1 =	rddreg [dreg:$0x1];
	p0 =	sne.s32 s2, $0x0  }
0x197: {  	s3 =	rddreg [dreg:$0x2];
	[bflag:$0x3] =	sbarrier.arrive $0xFFFF;
	s2 =	simm.s32 @!p0 $0x1C05  }
0x198: {  	[timem:s3], [sflag:s2] =	dma.local @!p0 [hbm:s0], s1  }
0x199: {  	s0 =	simm.s32 @!p0 $0x5  }
0x19a: {  	_ =	swait.ge @!p0 [sflag:s0], s1  }
0x19b: {  	s1 =	ssub.s32 @!p0 $0x0, s1;
	[sflag:s0] =	ssyncset.done @!p0 $0x0  }
0x19c: {  	[sflag:s0] =	ssyncadd.s32 @!p0 s1  }
0x19d: {  	[bflag:$0x3] =	sbarrier.arrive $0xFFFF  }
0x19e: {  	_ =	shalt  }

</sc_bundles>
